<compile_context>
chip_gen: v7x
topology: tpu7x:2x2x1
jax: 0.10.2.dev20260603
libtpu: 0.0.44.dev20260713+nightly
codegen_flags: <defaults>
</compile_context>

<pallas_src>
import functools

import jax
import jax.numpy as jnp
from jax import lax
from jax.experimental import pallas as pl
from jax.experimental.pallas import tpu as pltpu
from jax.experimental.pallas import tpu_sc as plsc

_NC = 2
_NS = 16
_NW = _NC * _NS
_K = 128
_G = 64
_EPS = 1e-5
_BAL_A = 1
_BAL_DEN = 2


def _make_agg(n_pad, d, chunks_a, chunks_b, max_chunks):
  rows_per_tile = n_pad // _NS
  mesh = plsc.VectorSubcoreMesh(core_axis_name="c", subcore_axis_name="s")

  @functools.partial(
      pl.kernel,
      out_type=jax.ShapeDtypeStruct((_NC * n_pad, d), jnp.float32),
      mesh=mesh,
      scratch_types=[
          pltpu.VMEM((_K,), jnp.int32),
          pltpu.VMEM((_K,), jnp.int32),
          pltpu.VMEM((_K, d), jnp.float32),
          pltpu.VMEM_SHARED((n_pad, d), jnp.float32),
          pltpu.SemaphoreType.DMA,
      ],
  )
  def agg(h_hbm, src_hbm, dst_hbm, zeros_hbm, out_hbm, src_v, dst_v, rows_v,
          acc, sem):
    c = lax.axis_index("c")
    s = lax.axis_index("s")
    wid = s * _NC + c
    r0 = s * rows_per_tile
    pltpu.sync_copy(zeros_hbm.at[pl.ds(r0, rows_per_tile)],
                    acc.at[pl.ds(r0, rows_per_tile)])
    plsc.subcore_barrier()

    def body(g, carry):
      off = (wid * max_chunks + g) * _K
      pltpu.sync_copy(src_hbm.at[pl.ds(off, _K)], src_v)
      pltpu.sync_copy(dst_hbm.at[pl.ds(off, _K)], dst_v)
      pltpu.async_copy(h_hbm.at[src_v], rows_v, sem).wait()
      pltpu.sync_copy(rows_v, acc.at[dst_v], add=True)
      return carry

    my_chunks = jnp.where(c == 0, chunks_a, chunks_b)
    lax.fori_loop(0, my_chunks, body, 0)
    plsc.subcore_barrier()
    pltpu.sync_copy(acc.at[pl.ds(r0, rows_per_tile)],
                    out_hbm.at[pl.ds(c * n_pad + r0, rows_per_tile)])

  return agg


def _rsqrt_precise(x):
  r = lax.rsqrt(x)
  r = r * (1.5 - 0.5 * x * r * r)
  r = r * (1.5 - 0.5 * x * r * r)
  return r


def _bn_relu(z, g, b):
  m = jnp.mean(z, axis=0, keepdims=True)
  zc = z - m
  v = jnp.mean(zc * zc, axis=0, keepdims=True)
  return jnp.maximum(zc * _rsqrt_precise(v + _EPS) * g + b, 0.0)


def _make_mlp(n, n_pad, d):

  def body(h_ref, p_ref, w1_ref, b1_ref, g1_ref, be1_ref, w2_ref, b2_ref,
           g2_ref, be2_ref, o_ref):
    z = h_ref[...] + p_ref[0:n, :] + p_ref[n_pad:n_pad + n, :]
    z = jnp.dot(z, w1_ref[...], preferred_element_type=jnp.float32, precision=lax.Precision.HIGHEST)
    z = _bn_relu(z + b1_ref[...], g1_ref[...], be1_ref[...])
    z = jnp.dot(z, w2_ref[...], preferred_element_type=jnp.float32, precision=lax.Precision.HIGHEST)
    o_ref[...] = _bn_relu(z + b2_ref[...], g2_ref[...], be2_ref[...])

  return pl.pallas_call(
      body, out_shape=jax.ShapeDtypeStruct((n, d), jnp.float32))


def _make_mlp_pool(n, n_pad, d, out_dim):

  def body(h_ref, p_ref, w1_ref, b1_ref, g1_ref, be1_ref, w2_ref, b2_ref,
           g2_ref, be2_ref, batch_ref, fcw_ref, fcb_ref, o_ref):
    z = h_ref[...] + p_ref[0:n, :] + p_ref[n_pad:n_pad + n, :]
    z = jnp.dot(z, w1_ref[...], preferred_element_type=jnp.float32, precision=lax.Precision.HIGHEST)
    z = _bn_relu(z + b1_ref[...], g1_ref[...], be1_ref[...])
    z = jnp.dot(z, w2_ref[...], preferred_element_type=jnp.float32, precision=lax.Precision.HIGHEST)
    h2 = _bn_relu(z + b2_ref[...], g2_ref[...], be2_ref[...])
    oht = (lax.broadcasted_iota(jnp.int32, (_G, n), 0)
           == batch_ref[...]).astype(jnp.float32)
    sums = jnp.dot(oht, h2, preferred_element_type=jnp.float32, precision=lax.Precision.HIGHEST)
    cnt = jnp.sum(oht, axis=1, keepdims=True)
    pooled = sums / jnp.maximum(cnt, 1.0)
    o_ref[...] = (jnp.dot(pooled, fcw_ref[...], preferred_element_type=jnp.float32,
                          precision=lax.Precision.HIGHEST) + fcb_ref[...])

  return pl.pallas_call(
      body, out_shape=jax.ShapeDtypeStruct((_G, out_dim), jnp.float32))


def kernel(x, edge_index, batch, W1, b1, g1, be1, W2, b2, g2, be2, fcW, fcb):
  n, d = x.shape
  e = edge_index.shape[1]
  num_layers = W1.shape[0]
  out_dim = fcW.shape[1]

  n_pad = (n + 1 + _NS * 8 - 1) // (_NS * 8) * (_NS * 8)

  total_chunks = (e + _K - 1) // _K
  chunks_a = -(-(total_chunks * _BAL_A) // (_BAL_DEN * _NS))
  rem = max(0, total_chunks - chunks_a * _NS)
  chunks_b = -(-rem // _NS)
  max_chunks = max(chunks_a, chunks_b)

  src_e = edge_index[0]
  dst_e = edge_index[1]
  cap = _NW * max_chunks * _K
  src_flat = jnp.zeros((cap,), jnp.int32)
  dst_flat = jnp.full((cap,), n, jnp.int32)
  epos = 0
  for w in range(_NW):
    cnt = (chunks_a if w % _NC == 0 else chunks_b) * _K
    take = min(cnt, e - epos)
    if take > 0:
      seg_s = lax.dynamic_slice(src_e, (epos,), (take,))
      seg_d = lax.dynamic_slice(dst_e, (epos,), (take,))
      src_flat = lax.dynamic_update_slice(src_flat, seg_s,
                                          (w * max_chunks * _K,))
      dst_flat = lax.dynamic_update_slice(dst_flat, seg_d,
                                          (w * max_chunks * _K,))
      epos += take
  zeros = jnp.zeros((n_pad, d), jnp.float32)

  agg_fn = _make_agg(n_pad, d, chunks_a, chunks_b, max_chunks)
  mlp_fn = _make_mlp(n, n_pad, d)
  mlp_pool_fn = _make_mlp_pool(n, n_pad, d, out_dim)

  r1 = lambda a: a.reshape(1, -1)
  h = x
  for l in range(num_layers):
    parts = agg_fn(h, src_flat, dst_flat, zeros)
    args = (h, parts, W1[l], r1(b1[l]), r1(g1[l]), r1(be1[l]),
            W2[l], r1(b2[l]), r1(g2[l]), r1(be2[l]))
    if l + 1 < num_layers:
      h = mlp_fn(*args)
    else:
      return mlp_pool_fn(*args, batch.reshape(1, n), fcW, r1(fcb))

# --- scband reference (transcript-rebuilt; emitter-appended) ---
"""Pipeline reference for scband-gin-27367531610541 (READ-ONLY COPY).

The authoritative reference and input builder live on the scoring server;
editing this copy changes nothing except your own understanding.
"""

import jax, jax.numpy as jnp
import numpy as np

N = 10000
E = 320000
D = 128
L = 2
G = 64
OUT = 128


def setup_inputs(seed: int = 0) -> dict:
    key = jax.random.key(seed)
    ks = jax.random.split(key, 16)
    x = jax.random.normal(ks[0], (N, D), dtype=jnp.float32)
    edge_index = jax.random.randint(ks[1], (2, E), 0, N, dtype=jnp.int32)
    batch = jnp.sort(jax.random.randint(ks[2], (N,), 0, G, dtype=jnp.int32))
    s = 0.05
    W1 = jax.random.normal(ks[3], (L, D, D), dtype=jnp.float32) * s
    b1 = jnp.zeros((L, D), dtype=jnp.float32)
    g1 = jnp.ones((L, D), dtype=jnp.float32)
    be1 = jnp.zeros((L, D), dtype=jnp.float32)
    W2 = jax.random.normal(ks[4], (L, D, D), dtype=jnp.float32) * s
    b2 = jnp.zeros((L, D), dtype=jnp.float32)
    g2 = jnp.ones((L, D), dtype=jnp.float32)
    be2 = jnp.zeros((L, D), dtype=jnp.float32)
    fcW = jax.random.normal(ks[5], (D, OUT), dtype=jnp.float32) * s
    fcb = jnp.zeros((OUT,), dtype=jnp.float32)
    return {"x": x, "edge_index": edge_index, "batch": batch,
            "W1": W1, "b1": b1, "g1": g1, "be1": be1,
            "W2": W2, "b2": b2, "g2": g2, "be2": be2,
            "fcW": fcW, "fcb": fcb}


def _bn(h, g, b):
    m = jnp.mean(h, axis=0)
    v = jnp.var(h, axis=0)
    return (h - m) / jnp.sqrt(v + 1e-5) * g + b


def reference(x, edge_index, batch, W1, b1, g1, be1, W2, b2, g2, be2, fcW, fcb):
    src = edge_index[0]
    dst = edge_index[1]
    h = x
    for l in range(L):
        # GINConv: (1 + eps) * x + sum_{j in N(i)} x_j, eps = 0
        agg = jnp.zeros_like(h).at[dst].add(h[src])
        z = h + agg
        # mlp: Linear -> BatchNorm1d -> ReLU -> Linear
        z = z @ W1[l] + b1[l]
        z = _bn(z, g1[l], be1[l])
        z = jax.nn.relu(z)
        z = z @ W2[l] + b2[l]
        # outer batch_norm + relu
        z = _bn(z, g2[l], be2[l])
        h = jax.nn.relu(z)
    # global_mean_pool
    sums = jax.ops.segment_sum(h, batch, num_segments=G)
    cnt = jax.ops.segment_sum(jnp.ones((N, 1), dtype=h.dtype), batch, num_segments=G)
    pooled = sums / jnp.maximum(cnt, 1.0)
    out = pooled @ fcW + fcb
    return out

if __name__ == "__main__":
    import jax
    _d = setup_inputs()
    print(jax.jit(kernel)(*tuple(_d.values())))

</pallas_src>

<mosaic_0001>
#map = affine_map<(d0, d1) -> (0, 0)>
#map1 = affine_map<(d0, d1) -> (0)>
module attributes {stable_mosaic.version = 14 : i64} {
  func.func @agg(%arg0: i32, %arg1: i32, %arg2: memref<10000x128xf32, #tpu.memory_space<hbm>>, %arg3: memref<323584xi32, #tpu.memory_space<hbm>>, %arg4: memref<323584xi32, #tpu.memory_space<hbm>>, %arg5: memref<10112x128xf32, #tpu.memory_space<hbm>>, %arg6: memref<20224x128xf32, #tpu.memory_space<hbm>>, %arg7: memref<128xi32, #tpu.memory_space<vmem>>, %arg8: memref<128xi32, #tpu.memory_space<vmem>>, %arg9: memref<128x128xf32, #tpu.memory_space<vmem>>, %arg10: memref<10112x128xf32, #tpu.memory_space<vmem_shared>>, %arg11: memref<!tpu.dma_semaphore, #tpu.memory_space<semaphore_mem>>) attributes {dimension_semantics = [#tpu.dimension_semantics<core_parallel>, #tpu.dimension_semantics<subcore_parallel>], iteration_bounds = array<i64: 2, 16>, scalar_prefetch = 0 : i64, scratch_operands = 5 : i64, tpu.core_type = #tpu.core_type<sc_vector_subcore>, window_params = [{transform_indices = #map}, {transform_indices = #map1}, {transform_indices = #map1}, {transform_indices = #map}, {transform_indices = #map}]} {
    %mul3A = arith.constant 2 : i32
    %mul3A_0 = arith.muli %arg1, %mul3A : i32
    %add3A = arith.addi %mul3A_0, %arg0 : i32
    %mul3A_1 = arith.constant 632 : i32
    %mul3A_2 = arith.muli %arg1, %mul3A_1 : i32
    "tpu.region"() ({
      %run_scoped3A = tpu.sem_alloc : memref<!tpu.dma_semaphore, #tpu.memory_space<semaphore_mem>>
      %dma_start3A = arith.constant 0 : i32
      %dma_start3A_18 = tpu.memref_slice %arg10[%mul3A_2, %dma_start3A] : memref<10112x128xf32, #tpu.memory_space<vmem_shared>> -> memref<632x128xf32, #tpu.memory_space<vmem_shared>>
      %dma_start3A_19 = arith.constant 0 : i32
      %dma_start3A_20 = tpu.memref_slice %arg5[%mul3A_2, %dma_start3A_19] : memref<10112x128xf32, #tpu.memory_space<hbm>> -> memref<632x128xf32, #tpu.memory_space<hbm>>
      tpu.enqueue_dma source(%dma_start3A_20 : memref<632x128xf32, #tpu.memory_space<hbm>>) target(%dma_start3A_18 : memref<632x128xf32, #tpu.memory_space<vmem_shared>>) target_semaphore(%run_scoped3A : memref<!tpu.dma_semaphore, #tpu.memory_space<semaphore_mem>>)
      %dma_wait3A = arith.constant 0 : i32
      %dma_wait3A_21 = tpu.memref_slice %arg10[%mul3A_2, %dma_wait3A] : memref<10112x128xf32, #tpu.memory_space<vmem_shared>> -> memref<632x128xf32, #tpu.memory_space<vmem_shared>>
      %dma_wait3A_22 = arith.constant 0 : i32
      %dma_wait3A_23 = tpu.memref_slice %arg5[%mul3A_2, %dma_wait3A_22] : memref<10112x128xf32, #tpu.memory_space<hbm>> -> memref<632x128xf32, #tpu.memory_space<hbm>>
      tpu.wait_dma2 semaphore(%run_scoped3A : memref<!tpu.dma_semaphore, #tpu.memory_space<semaphore_mem>>) src(%dma_wait3A_23 : memref<632x128xf32, #tpu.memory_space<hbm>>) dst(%dma_wait3A_21 : memref<632x128xf32, #tpu.memory_space<vmem_shared>>)
      tpu.yield
    }) : () -> ()
    %barrier3A = arith.constant 0 : index
    tpu.barrier barrier_id(%barrier3A)
    %eq3A = arith.constant 0 : i32
    %eq3A_3 = arith.cmpi eq, %arg0, %eq3A : i32
    %jit3A = arith.constant 79 : i32
    %jit3A_4 = arith.constant 78 : i32
    %select_n3A = arith.select %eq3A_3, %jit3A, %jit3A_4 : i32
    %while3A = arith.constant 0 : i32
    %while3A_5 = arith.constant 0 : i32
    %while3A_6 = arith.subi %select_n3A, %while3A_5 : i32
    %while3A_7 = arith.addi %while3A_5, %while3A_6 : i32
    %while3A_8 = arith.constant 1 : i32
    %while3A_9 = arith.divsi %while3A_6, %while3A_8 : i32
    %while3A_10 = arith.muli %while3A_9, %while3A_8 : i32
    %while3A_11 = arith.addi %while3A_5, %while3A_10 : i32
    %while3A_12 = arith.constant 1 : i32
    scf.for %while3A_18 = %while3A_5 to %while3A_11 step %while3A_12  : i32 {
      %mul3A_19 = arith.constant 79 : i32
      %mul3A_20 = arith.muli %add3A, %mul3A_19 : i32
      %add3A_21 = arith.addi %mul3A_20, %while3A_18 : i32
      %mul3A_22 = arith.constant 128 : i32
      %mul3A_23 = arith.muli %add3A_21, %mul3A_22 : i32
      "tpu.region"() ({
        %run_scoped3A = tpu.sem_alloc : memref<!tpu.dma_semaphore, #tpu.memory_space<semaphore_mem>>
        %dma_start3A_28 = tpu.memref_slice %arg3[%mul3A_23] : memref<323584xi32, #tpu.memory_space<hbm>> -> memref<128xi32, #tpu.memory_space<hbm>>
        %dma_start3A_29 = tpu.memref_slice %arg3[%mul3A_23] : memref<323584xi32, #tpu.memory_space<hbm>> -> memref<128xi32, #tpu.memory_space<hbm>>
        tpu.enqueue_dma source(%dma_start3A_29 : memref<128xi32, #tpu.memory_space<hbm>>) target(%arg7 : memref<128xi32, #tpu.memory_space<vmem>>) target_semaphore(%run_scoped3A : memref<!tpu.dma_semaphore, #tpu.memory_space<semaphore_mem>>)
        %dma_wait3A_30 = tpu.memref_slice %arg3[%mul3A_23] : memref<323584xi32, #tpu.memory_space<hbm>> -> memref<128xi32, #tpu.memory_space<hbm>>
        %dma_wait3A_31 = tpu.memref_slice %arg3[%mul3A_23] : memref<323584xi32, #tpu.memory_space<hbm>> -> memref<128xi32, #tpu.memory_space<hbm>>
        tpu.wait_dma2 semaphore(%run_scoped3A : memref<!tpu.dma_semaphore, #tpu.memory_space<semaphore_mem>>) src(%dma_wait3A_31 : memref<128xi32, #tpu.memory_space<hbm>>) dst(%arg7 : memref<128xi32, #tpu.memory_space<vmem>>)
        tpu.yield
      }) : () -> ()
      "tpu.region"() ({
        %run_scoped3A = tpu.sem_alloc : memref<!tpu.dma_semaphore, #tpu.memory_space<semaphore_mem>>
        %dma_start3A_28 = tpu.memref_slice %arg4[%mul3A_23] : memref<323584xi32, #tpu.memory_space<hbm>> -> memref<128xi32, #tpu.memory_space<hbm>>
        %dma_start3A_29 = tpu.memref_slice %arg4[%mul3A_23] : memref<323584xi32, #tpu.memory_space<hbm>> -> memref<128xi32, #tpu.memory_space<hbm>>
        tpu.enqueue_dma source(%dma_start3A_29 : memref<128xi32, #tpu.memory_space<hbm>>) target(%arg8 : memref<128xi32, #tpu.memory_space<vmem>>) target_semaphore(%run_scoped3A : memref<!tpu.dma_semaphore, #tpu.memory_space<semaphore_mem>>)
        %dma_wait3A_30 = tpu.memref_slice %arg4[%mul3A_23] : memref<323584xi32, #tpu.memory_space<hbm>> -> memref<128xi32, #tpu.memory_space<hbm>>
        %dma_wait3A_31 = tpu.memref_slice %arg4[%mul3A_23] : memref<323584xi32, #tpu.memory_space<hbm>> -> memref<128xi32, #tpu.memory_space<hbm>>
        tpu.wait_dma2 semaphore(%run_scoped3A : memref<!tpu.dma_semaphore, #tpu.memory_space<semaphore_mem>>) src(%dma_wait3A_31 : memref<128xi32, #tpu.memory_space<hbm>>) dst(%arg8 : memref<128xi32, #tpu.memory_space<vmem>>)
        tpu.yield
      }) : () -> ()
      %dma_start3A = arith.constant 0 : i32
      %dma_start3A_24 = arith.constant 0 : i32
      %dma_start3A_25 = tpu.memref_slice %arg2[%dma_start3A, %dma_start3A_24] : memref<10000x128xf32, #tpu.memory_space<hbm>> -> memref<10000x128xf32, #tpu.memory_space<hbm>>
      tpu.enqueue_indirect_dma source(%dma_start3A_25 : memref<10000x128xf32, #tpu.memory_space<hbm>>) target(%arg9 : memref<128x128xf32, #tpu.memory_space<vmem>>) offsets(%arg7 : memref<128xi32, #tpu.memory_space<vmem>>) semaphore(%arg11 : memref<!tpu.dma_semaphore, #tpu.memory_space<semaphore_mem>>)
      %dma_wait3A = arith.constant 0 : i32
      %dma_wait3A_26 = arith.constant 0 : i32
      %dma_wait3A_27 = tpu.memref_slice %arg2[%dma_wait3A, %dma_wait3A_26] : memref<10000x128xf32, #tpu.memory_space<hbm>> -> memref<10000x128xf32, #tpu.memory_space<hbm>>
      tpu.wait_indirect_dma semaphore(%arg11 : memref<!tpu.dma_semaphore, #tpu.memory_space<semaphore_mem>>) src(%dma_wait3A_27 : memref<10000x128xf32, #tpu.memory_space<hbm>>) dst(%arg9 : memref<128x128xf32, #tpu.memory_space<vmem>>)
      "tpu.region"() ({
        %run_scoped3A = tpu.sem_alloc : memref<!tpu.dma_semaphore, #tpu.memory_space<semaphore_mem>>
        %dma_start3A_28 = arith.constant 0 : i32
        %dma_start3A_29 = arith.constant 0 : i32
        %dma_start3A_30 = tpu.memref_slice %arg10[%dma_start3A_28, %dma_start3A_29] : memref<10112x128xf32, #tpu.memory_space<vmem_shared>> -> memref<10112x128xf32, #tpu.memory_space<vmem_shared>>
        tpu.enqueue_indirect_dma source(%arg9 : memref<128x128xf32, #tpu.memory_space<vmem>>) target(%dma_start3A_30 : memref<10112x128xf32, #tpu.memory_space<vmem_shared>>) offsets(%arg8 : memref<128xi32, #tpu.memory_space<vmem>>) semaphore(%run_scoped3A : memref<!tpu.dma_semaphore, #tpu.memory_space<semaphore_mem>>) {add = true}
        %dma_wait3A_31 = arith.constant 0 : i32
        %dma_wait3A_32 = arith.constant 0 : i32
        %dma_wait3A_33 = tpu.memref_slice %arg10[%dma_wait3A_31, %dma_wait3A_32] : memref<10112x128xf32, #tpu.memory_space<vmem_shared>> -> memref<10112x128xf32, #tpu.memory_space<vmem_shared>>
        tpu.wait_indirect_dma semaphore(%run_scoped3A : memref<!tpu.dma_semaphore, #tpu.memory_space<semaphore_mem>>) src(%arg9 : memref<128x128xf32, #tpu.memory_space<vmem>>) dst(%dma_wait3A_33 : memref<10112x128xf32, #tpu.memory_space<vmem_shared>>)
        tpu.yield
      }) : () -> ()
    }
    %while3A_13 = arith.constant 1 : i32
    scf.for %while3A_18 = %while3A_11 to %while3A_7 step %while3A_13  : i32 {
      %mul3A_19 = arith.constant 79 : i32
      %mul3A_20 = arith.muli %add3A, %mul3A_19 : i32
      %add3A_21 = arith.addi %mul3A_20, %while3A_18 : i32
      %mul3A_22 = arith.constant 128 : i32
      %mul3A_23 = arith.muli %add3A_21, %mul3A_22 : i32
      "tpu.region"() ({
        %run_scoped3A = tpu.sem_alloc : memref<!tpu.dma_semaphore, #tpu.memory_space<semaphore_mem>>
        %dma_start3A_28 = tpu.memref_slice %arg3[%mul3A_23] : memref<323584xi32, #tpu.memory_space<hbm>> -> memref<128xi32, #tpu.memory_space<hbm>>
        %dma_start3A_29 = tpu.memref_slice %arg3[%mul3A_23] : memref<323584xi32, #tpu.memory_space<hbm>> -> memref<128xi32, #tpu.memory_space<hbm>>
        tpu.enqueue_dma source(%dma_start3A_29 : memref<128xi32, #tpu.memory_space<hbm>>) target(%arg7 : memref<128xi32, #tpu.memory_space<vmem>>) target_semaphore(%run_scoped3A : memref<!tpu.dma_semaphore, #tpu.memory_space<semaphore_mem>>)
        %dma_wait3A_30 = tpu.memref_slice %arg3[%mul3A_23] : memref<323584xi32, #tpu.memory_space<hbm>> -> memref<128xi32, #tpu.memory_space<hbm>>
        %dma_wait3A_31 = tpu.memref_slice %arg3[%mul3A_23] : memref<323584xi32, #tpu.memory_space<hbm>> -> memref<128xi32, #tpu.memory_space<hbm>>
        tpu.wait_dma2 semaphore(%run_scoped3A : memref<!tpu.dma_semaphore, #tpu.memory_space<semaphore_mem>>) src(%dma_wait3A_31 : memref<128xi32, #tpu.memory_space<hbm>>) dst(%arg7 : memref<128xi32, #tpu.memory_space<vmem>>)
        tpu.yield
      }) : () -> ()
      "tpu.region"() ({
        %run_scoped3A = tpu.sem_alloc : memref<!tpu.dma_semaphore, #tpu.memory_space<semaphore_mem>>
        %dma_start3A_28 = tpu.memref_slice %arg4[%mul3A_23] : memref<323584xi32, #tpu.memory_space<hbm>> -> memref<128xi32, #tpu.memory_space<hbm>>
        %dma_start3A_29 = tpu.memref_slice %arg4[%mul3A_23] : memref<323584xi32, #tpu.memory_space<hbm>> -> memref<128xi32, #tpu.memory_space<hbm>>
        tpu.enqueue_dma source(%dma_start3A_29 : memref<128xi32, #tpu.memory_space<hbm>>) target(%arg8 : memref<128xi32, #tpu.memory_space<vmem>>) target_semaphore(%run_scoped3A : memref<!tpu.dma_semaphore, #tpu.memory_space<semaphore_mem>>)
        %dma_wait3A_30 = tpu.memref_slice %arg4[%mul3A_23] : memref<323584xi32, #tpu.memory_space<hbm>> -> memref<128xi32, #tpu.memory_space<hbm>>
        %dma_wait3A_31 = tpu.memref_slice %arg4[%mul3A_23] : memref<323584xi32, #tpu.memory_space<hbm>> -> memref<128xi32, #tpu.memory_space<hbm>>
        tpu.wait_dma2 semaphore(%run_scoped3A : memref<!tpu.dma_semaphore, #tpu.memory_space<semaphore_mem>>) src(%dma_wait3A_31 : memref<128xi32, #tpu.memory_space<hbm>>) dst(%arg8 : memref<128xi32, #tpu.memory_space<vmem>>)
        tpu.yield
      }) : () -> ()
      %dma_start3A = arith.constant 0 : i32
      %dma_start3A_24 = arith.constant 0 : i32
      %dma_start3A_25 = tpu.memref_slice %arg2[%dma_start3A, %dma_start3A_24] : memref<10000x128xf32, #tpu.memory_space<hbm>> -> memref<10000x128xf32, #tpu.memory_space<hbm>>
      tpu.enqueue_indirect_dma source(%dma_start3A_25 : memref<10000x128xf32, #tpu.memory_space<hbm>>) target(%arg9 : memref<128x128xf32, #tpu.memory_space<vmem>>) offsets(%arg7 : memref<128xi32, #tpu.memory_space<vmem>>) semaphore(%arg11 : memref<!tpu.dma_semaphore, #tpu.memory_space<semaphore_mem>>)
      %dma_wait3A = arith.constant 0 : i32
      %dma_wait3A_26 = arith.constant 0 : i32
      %dma_wait3A_27 = tpu.memref_slice %arg2[%dma_wait3A, %dma_wait3A_26] : memref<10000x128xf32, #tpu.memory_space<hbm>> -> memref<10000x128xf32, #tpu.memory_space<hbm>>
      tpu.wait_indirect_dma semaphore(%arg11 : memref<!tpu.dma_semaphore, #tpu.memory_space<semaphore_mem>>) src(%dma_wait3A_27 : memref<10000x128xf32, #tpu.memory_space<hbm>>) dst(%arg9 : memref<128x128xf32, #tpu.memory_space<vmem>>)
      "tpu.region"() ({
        %run_scoped3A = tpu.sem_alloc : memref<!tpu.dma_semaphore, #tpu.memory_space<semaphore_mem>>
        %dma_start3A_28 = arith.constant 0 : i32
        %dma_start3A_29 = arith.constant 0 : i32
        %dma_start3A_30 = tpu.memref_slice %arg10[%dma_start3A_28, %dma_start3A_29] : memref<10112x128xf32, #tpu.memory_space<vmem_shared>> -> memref<10112x128xf32, #tpu.memory_space<vmem_shared>>
        tpu.enqueue_indirect_dma source(%arg9 : memref<128x128xf32, #tpu.memory_space<vmem>>) target(%dma_start3A_30 : memref<10112x128xf32, #tpu.memory_space<vmem_shared>>) offsets(%arg8 : memref<128xi32, #tpu.memory_space<vmem>>) semaphore(%run_scoped3A : memref<!tpu.dma_semaphore, #tpu.memory_space<semaphore_mem>>) {add = true}
        %dma_wait3A_31 = arith.constant 0 : i32
        %dma_wait3A_32 = arith.constant 0 : i32
        %dma_wait3A_33 = tpu.memref_slice %arg10[%dma_wait3A_31, %dma_wait3A_32] : memref<10112x128xf32, #tpu.memory_space<vmem_shared>> -> memref<10112x128xf32, #tpu.memory_space<vmem_shared>>
        tpu.wait_indirect_dma semaphore(%run_scoped3A : memref<!tpu.dma_semaphore, #tpu.memory_space<semaphore_mem>>) src(%arg9 : memref<128x128xf32, #tpu.memory_space<vmem>>) dst(%dma_wait3A_33 : memref<10112x128xf32, #tpu.memory_space<vmem_shared>>)
        tpu.yield
      }) : () -> ()
    }
    %barrier3A_14 = arith.constant 0 : index
    tpu.barrier barrier_id(%barrier3A_14)
    %mul3A_15 = arith.constant 10112 : i32
    %mul3A_16 = arith.muli %arg0, %mul3A_15 : i32
    %add3A_17 = arith.addi %mul3A_16, %mul3A_2 : i32
    "tpu.region"() ({
      %run_scoped3A = tpu.sem_alloc : memref<!tpu.dma_semaphore, #tpu.memory_space<semaphore_mem>>
      %dma_start3A = arith.constant 0 : i32
      %dma_start3A_18 = tpu.memref_slice %arg6[%add3A_17, %dma_start3A] : memref<20224x128xf32, #tpu.memory_space<hbm>> -> memref<632x128xf32, #tpu.memory_space<hbm>>
      %dma_start3A_19 = arith.constant 0 : i32
      %dma_start3A_20 = tpu.memref_slice %arg10[%mul3A_2, %dma_start3A_19] : memref<10112x128xf32, #tpu.memory_space<vmem_shared>> -> memref<632x128xf32, #tpu.memory_space<vmem_shared>>
      tpu.enqueue_dma source(%dma_start3A_20 : memref<632x128xf32, #tpu.memory_space<vmem_shared>>) target(%dma_start3A_18 : memref<632x128xf32, #tpu.memory_space<hbm>>) target_semaphore(%run_scoped3A : memref<!tpu.dma_semaphore, #tpu.memory_space<semaphore_mem>>)
      %dma_wait3A = arith.constant 0 : i32
      %dma_wait3A_21 = tpu.memref_slice %arg6[%add3A_17, %dma_wait3A] : memref<20224x128xf32, #tpu.memory_space<hbm>> -> memref<632x128xf32, #tpu.memory_space<hbm>>
      %dma_wait3A_22 = arith.constant 0 : i32
      %dma_wait3A_23 = tpu.memref_slice %arg10[%mul3A_2, %dma_wait3A_22] : memref<10112x128xf32, #tpu.memory_space<vmem_shared>> -> memref<632x128xf32, #tpu.memory_space<vmem_shared>>
      tpu.wait_dma2 semaphore(%run_scoped3A : memref<!tpu.dma_semaphore, #tpu.memory_space<semaphore_mem>>) src(%dma_wait3A_23 : memref<632x128xf32, #tpu.memory_space<vmem_shared>>) dst(%dma_wait3A_21 : memref<632x128xf32, #tpu.memory_space<hbm>>)
      tpu.yield
    }) : () -> ()
    return
  }
}

#map = affine_map<(d0, d1) -> (0, 0)>
#map1 = affine_map<(d0, d1) -> (0)>
module attributes {stable_mosaic.version = 14 : i64} {
  func.func @agg(%arg0: i32, %arg1: i32, %arg2: memref<10000x128xf32, #tpu.memory_space<hbm>>, %arg3: memref<323584xi32, #tpu.memory_space<hbm>>, %arg4: memref<323584xi32, #tpu.memory_space<hbm>>, %arg5: memref<10112x128xf32, #tpu.memory_space<hbm>>, %arg6: memref<20224x128xf32, #tpu.memory_space<hbm>>, %arg7: memref<128xi32, #tpu.memory_space<vmem>>, %arg8: memref<128xi32, #tpu.memory_space<vmem>>, %arg9: memref<128x128xf32, #tpu.memory_space<vmem>>, %arg10: memref<10112x128xf32, #tpu.memory_space<vmem_shared>>, %arg11: memref<!tpu.dma_semaphore, #tpu.memory_space<semaphore_mem>>) attributes {dimension_semantics = [#tpu.dimension_semantics<core_parallel>, #tpu.dimension_semantics<subcore_parallel>], iteration_bounds = array<i64: 2, 16>, scalar_prefetch = 0 : i64, scratch_operands = 5 : i64, tpu.core_type = #tpu.core_type<sc_vector_subcore>, window_params = [{transform_indices = #map}, {transform_indices = #map1}, {transform_indices = #map1}, {transform_indices = #map}, {transform_indices = #map}]} {
    %mul3A = arith.constant 2 : i32
    %mul3A_0 = arith.muli %arg1, %mul3A : i32
    %add3A = arith.addi %mul3A_0, %arg0 : i32
    %mul3A_1 = arith.constant 632 : i32
    %mul3A_2 = arith.muli %arg1, %mul3A_1 : i32
    "tpu.region"() ({
      %run_scoped3A = tpu.sem_alloc : memref<!tpu.dma_semaphore, #tpu.memory_space<semaphore_mem>>
      %dma_start3A = arith.constant 0 : i32
      %dma_start3A_18 = tpu.memref_slice %arg10[%mul3A_2, %dma_start3A] : memref<10112x128xf32, #tpu.memory_space<vmem_shared>> -> memref<632x128xf32, #tpu.memory_space<vmem_shared>>
      %dma_start3A_19 = arith.constant 0 : i32
      %dma_start3A_20 = tpu.memref_slice %arg5[%mul3A_2, %dma_start3A_19] : memref<10112x128xf32, #tpu.memory_space<hbm>> -> memref<632x128xf32, #tpu.memory_space<hbm>>
      tpu.enqueue_dma source(%dma_start3A_20 : memref<632x128xf32, #tpu.memory_space<hbm>>) target(%dma_start3A_18 : memref<632x128xf32, #tpu.memory_space<vmem_shared>>) target_semaphore(%run_scoped3A : memref<!tpu.dma_semaphore, #tpu.memory_space<semaphore_mem>>)
      %dma_wait3A = arith.constant 0 : i32
      %dma_wait3A_21 = tpu.memref_slice %arg10[%mul3A_2, %dma_wait3A] : memref<10112x128xf32, #tpu.memory_space<vmem_shared>> -> memref<632x128xf32, #tpu.memory_space<vmem_shared>>
      %dma_wait3A_22 = arith.constant 0 : i32
      %dma_wait3A_23 = tpu.memref_slice %arg5[%mul3A_2, %dma_wait3A_22] : memref<10112x128xf32, #tpu.memory_space<hbm>> -> memref<632x128xf32, #tpu.memory_space<hbm>>
      tpu.wait_dma2 semaphore(%run_scoped3A : memref<!tpu.dma_semaphore, #tpu.memory_space<semaphore_mem>>) src(%dma_wait3A_23 : memref<632x128xf32, #tpu.memory_space<hbm>>) dst(%dma_wait3A_21 : memref<632x128xf32, #tpu.memory_space<vmem_shared>>)
      tpu.yield
    }) : () -> ()
    %barrier3A = arith.constant 0 : index
    tpu.barrier barrier_id(%barrier3A)
    %eq3A = arith.constant 0 : i32
    %eq3A_3 = arith.cmpi eq, %arg0, %eq3A : i32
    %jit3A = arith.constant 79 : i32
    %jit3A_4 = arith.constant 78 : i32
    %select_n3A = arith.select %eq3A_3, %jit3A, %jit3A_4 : i32
    %while3A = arith.constant 0 : i32
    %while3A_5 = arith.constant 0 : i32
    %while3A_6 = arith.subi %select_n3A, %while3A_5 : i32
    %while3A_7 = arith.addi %while3A_5, %while3A_6 : i32
    %while3A_8 = arith.constant 1 : i32
    %while3A_9 = arith.divsi %while3A_6, %while3A_8 : i32
    %while3A_10 = arith.muli %while3A_9, %while3A_8 : i32
    %while3A_11 = arith.addi %while3A_5, %while3A_10 : i32
    %while3A_12 = arith.constant 1 : i32
    scf.for %while3A_18 = %while3A_5 to %while3A_11 step %while3A_12  : i32 {
      %mul3A_19 = arith.constant 79 : i32
      %mul3A_20 = arith.muli %add3A, %mul3A_19 : i32
      %add3A_21 = arith.addi %mul3A_20, %while3A_18 : i32
      %mul3A_22 = arith.constant 128 : i32
      %mul3A_23 = arith.muli %add3A_21, %mul3A_22 : i32
      "tpu.region"() ({
        %run_scoped3A = tpu.sem_alloc : memref<!tpu.dma_semaphore, #tpu.memory_space<semaphore_mem>>
        %dma_start3A_28 = tpu.memref_slice %arg3[%mul3A_23] : memref<323584xi32, #tpu.memory_space<hbm>> -> memref<128xi32, #tpu.memory_space<hbm>>
        %dma_start3A_29 = tpu.memref_slice %arg3[%mul3A_23] : memref<323584xi32, #tpu.memory_space<hbm>> -> memref<128xi32, #tpu.memory_space<hbm>>
        tpu.enqueue_dma source(%dma_start3A_29 : memref<128xi32, #tpu.memory_space<hbm>>) target(%arg7 : memref<128xi32, #tpu.memory_space<vmem>>) target_semaphore(%run_scoped3A : memref<!tpu.dma_semaphore, #tpu.memory_space<semaphore_mem>>)
        %dma_wait3A_30 = tpu.memref_slice %arg3[%mul3A_23] : memref<323584xi32, #tpu.memory_space<hbm>> -> memref<128xi32, #tpu.memory_space<hbm>>
        %dma_wait3A_31 = tpu.memref_slice %arg3[%mul3A_23] : memref<323584xi32, #tpu.memory_space<hbm>> -> memref<128xi32, #tpu.memory_space<hbm>>
        tpu.wait_dma2 semaphore(%run_scoped3A : memref<!tpu.dma_semaphore, #tpu.memory_space<semaphore_mem>>) src(%dma_wait3A_31 : memref<128xi32, #tpu.memory_space<hbm>>) dst(%arg7 : memref<128xi32, #tpu.memory_space<vmem>>)
        tpu.yield
      }) : () -> ()
      "tpu.region"() ({
        %run_scoped3A = tpu.sem_alloc : memref<!tpu.dma_semaphore, #tpu.memory_space<semaphore_mem>>
        %dma_start3A_28 = tpu.memref_slice %arg4[%mul3A_23] : memref<323584xi32, #tpu.memory_space<hbm>> -> memref<128xi32, #tpu.memory_space<hbm>>
        %dma_start3A_29 = tpu.memref_slice %arg4[%mul3A_23] : memref<323584xi32, #tpu.memory_space<hbm>> -> memref<128xi32, #tpu.memory_space<hbm>>
        tpu.enqueue_dma source(%dma_start3A_29 : memref<128xi32, #tpu.memory_space<hbm>>) target(%arg8 : memref<128xi32, #tpu.memory_space<vmem>>) target_semaphore(%run_scoped3A : memref<!tpu.dma_semaphore, #tpu.memory_space<semaphore_mem>>)
        %dma_wait3A_30 = tpu.memref_slice %arg4[%mul3A_23] : memref<323584xi32, #tpu.memory_space<hbm>> -> memref<128xi32, #tpu.memory_space<hbm>>
        %dma_wait3A_31 = tpu.memref_slice %arg4[%mul3A_23] : memref<323584xi32, #tpu.memory_space<hbm>> -> memref<128xi32, #tpu.memory_space<hbm>>
        tpu.wait_dma2 semaphore(%run_scoped3A : memref<!tpu.dma_semaphore, #tpu.memory_space<semaphore_mem>>) src(%dma_wait3A_31 : memref<128xi32, #tpu.memory_space<hbm>>) dst(%arg8 : memref<128xi32, #tpu.memory_space<vmem>>)
        tpu.yield
      }) : () -> ()
      %dma_start3A = arith.constant 0 : i32
      %dma_start3A_24 = arith.constant 0 : i32
      %dma_start3A_25 = tpu.memref_slice %arg2[%dma_start3A, %dma_start3A_24] : memref<10000x128xf32, #tpu.memory_space<hbm>> -> memref<10000x128xf32, #tpu.memory_space<hbm>>
      tpu.enqueue_indirect_dma source(%dma_start3A_25 : memref<10000x128xf32, #tpu.memory_space<hbm>>) target(%arg9 : memref<128x128xf32, #tpu.memory_space<vmem>>) offsets(%arg7 : memref<128xi32, #tpu.memory_space<vmem>>) semaphore(%arg11 : memref<!tpu.dma_semaphore, #tpu.memory_space<semaphore_mem>>)
      %dma_wait3A = arith.constant 0 : i32
      %dma_wait3A_26 = arith.constant 0 : i32
      %dma_wait3A_27 = tpu.memref_slice %arg2[%dma_wait3A, %dma_wait3A_26] : memref<10000x128xf32, #tpu.memory_space<hbm>> -> memref<10000x128xf32, #tpu.memory_space<hbm>>
      tpu.wait_indirect_dma semaphore(%arg11 : memref<!tpu.dma_semaphore, #tpu.memory_space<semaphore_mem>>) src(%dma_wait3A_27 : memref<10000x128xf32, #tpu.memory_space<hbm>>) dst(%arg9 : memref<128x128xf32, #tpu.memory_space<vmem>>)
      "tpu.region"() ({
        %run_scoped3A = tpu.sem_alloc : memref<!tpu.dma_semaphore, #tpu.memory_space<semaphore_mem>>
        %dma_start3A_28 = arith.constant 0 : i32
        %dma_start3A_29 = arith.constant 0 : i32
        %dma_start3A_30 = tpu.memref_slice %arg10[%dma_start3A_28, %dma_start3A_29] : memref<10112x128xf32, #tpu.memory_space<vmem_shared>> -> memref<10112x128xf32, #tpu.memory_space<vmem_shared>>
        tpu.enqueue_indirect_dma source(%arg9 : memref<128x128xf32, #tpu.memory_space<vmem>>) target(%dma_start3A_30 : memref<10112x128xf32, #tpu.memory_space<vmem_shared>>) offsets(%arg8 : memref<128xi32, #tpu.memory_space<vmem>>) semaphore(%run_scoped3A : memref<!tpu.dma_semaphore, #tpu.memory_space<semaphore_mem>>) {add = true}
        %dma_wait3A_31 = arith.constant 0 : i32
        %dma_wait3A_32 = arith.constant 0 : i32
        %dma_wait3A_33 = tpu.memref_slice %arg10[%dma_wait3A_31, %dma_wait3A_32] : memref<10112x128xf32, #tpu.memory_space<vmem_shared>> -> memref<10112x128xf32, #tpu.memory_space<vmem_shared>>
        tpu.wait_indirect_dma semaphore(%run_scoped3A : memref<!tpu.dma_semaphore, #tpu.memory_space<semaphore_mem>>) src(%arg9 : memref<128x128xf32, #tpu.memory_space<vmem>>) dst(%dma_wait3A_33 : memref<10112x128xf32, #tpu.memory_space<vmem_shared>>)
        tpu.yield
      }) : () -> ()
    }
    %while3A_13 = arith.constant 1 : i32
    scf.for %while3A_18 = %while3A_11 to %while3A_7 step %while3A_13  : i32 {
      %mul3A_19 = arith.constant 79 : i32
      %mul3A_20 = arith.muli %add3A, %mul3A_19 : i32
      %add3A_21 = arith.addi %mul3A_20, %while3A_18 : i32
      %mul3A_22 = arith.constant 128 : i32
      %mul3A_23 = arith.muli %add3A_21, %mul3A_22 : i32
      "tpu.region"() ({
        %run_scoped3A = tpu.sem_alloc : memref<!tpu.dma_semaphore, #tpu.memory_space<semaphore_mem>>
        %dma_start3A_28 = tpu.memref_slice %arg3[%mul3A_23] : memref<323584xi32, #tpu.memory_space<hbm>> -> memref<128xi32, #tpu.memory_space<hbm>>
        %dma_start3A_29 = tpu.memref_slice %arg3[%mul3A_23] : memref<323584xi32, #tpu.memory_space<hbm>> -> memref<128xi32, #tpu.memory_space<hbm>>
        tpu.enqueue_dma source(%dma_start3A_29 : memref<128xi32, #tpu.memory_space<hbm>>) target(%arg7 : memref<128xi32, #tpu.memory_space<vmem>>) target_semaphore(%run_scoped3A : memref<!tpu.dma_semaphore, #tpu.memory_space<semaphore_mem>>)
        %dma_wait3A_30 = tpu.memref_slice %arg3[%mul3A_23] : memref<323584xi32, #tpu.memory_space<hbm>> -> memref<128xi32, #tpu.memory_space<hbm>>
        %dma_wait3A_31 = tpu.memref_slice %arg3[%mul3A_23] : memref<323584xi32, #tpu.memory_space<hbm>> -> memref<128xi32, #tpu.memory_space<hbm>>
        tpu.wait_dma2 semaphore(%run_scoped3A : memref<!tpu.dma_semaphore, #tpu.memory_space<semaphore_mem>>) src(%dma_wait3A_31 : memref<128xi32, #tpu.memory_space<hbm>>) dst(%arg7 : memref<128xi32, #tpu.memory_space<vmem>>)
        tpu.yield
      }) : () -> ()
      "tpu.region"() ({
        %run_scoped3A = tpu.sem_alloc : memref<!tpu.dma_semaphore, #tpu.memory_space<semaphore_mem>>
        %dma_start3A_28 = tpu.memref_slice %arg4[%mul3A_23] : memref<323584xi32, #tpu.memory_space<hbm>> -> memref<128xi32, #tpu.memory_space<hbm>>
        %dma_start3A_29 = tpu.memref_slice %arg4[%mul3A_23] : memref<323584xi32, #tpu.memory_space<hbm>> -> memref<128xi32, #tpu.memory_space<hbm>>
        tpu.enqueue_dma source(%dma_start3A_29 : memref<128xi32, #tpu.memory_space<hbm>>) target(%arg8 : memref<128xi32, #tpu.memory_space<vmem>>) target_semaphore(%run_scoped3A : memref<!tpu.dma_semaphore, #tpu.memory_space<semaphore_mem>>)
        %dma_wait3A_30 = tpu.memref_slice %arg4[%mul3A_23] : memref<323584xi32, #tpu.memory_space<hbm>> -> memref<128xi32, #tpu.memory_space<hbm>>
        %dma_wait3A_31 = tpu.memref_slice %arg4[%mul3A_23] : memref<323584xi32, #tpu.memory_space<hbm>> -> memref<128xi32, #tpu.memory_space<hbm>>
        tpu.wait_dma2 semaphore(%run_scoped3A : memref<!tpu.dma_semaphore, #tpu.memory_space<semaphore_mem>>) src(%dma_wait3A_31 : memref<128xi32, #tpu.memory_space<hbm>>) dst(%arg8 : memref<128xi32, #tpu.memory_space<vmem>>)
        tpu.yield
      }) : () -> ()
      %dma_start3A = arith.constant 0 : i32
      %dma_start3A_24 = arith.constant 0 : i32
      %dma_start3A_25 = tpu.memref_slice %arg2[%dma_start3A, %dma_start3A_24] : memref<10000x128xf32, #tpu.memory_space<hbm>> -> memref<10000x128xf32, #tpu.memory_space<hbm>>
      tpu.enqueue_indirect_dma source(%dma_start3A_25 : memref<10000x128xf32, #tpu.memory_space<hbm>>) target(%arg9 : memref<128x128xf32, #tpu.memory_space<vmem>>) offsets(%arg7 : memref<128xi32, #tpu.memory_space<vmem>>) semaphore(%arg11 : memref<!tpu.dma_semaphore, #tpu.memory_space<semaphore_mem>>)
      %dma_wait3A = arith.constant 0 : i32
      %dma_wait3A_26 = arith.constant 0 : i32
      %dma_wait3A_27 = tpu.memref_slice %arg2[%dma_wait3A, %dma_wait3A_26] : memref<10000x128xf32, #tpu.memory_space<hbm>> -> memref<10000x128xf32, #tpu.memory_space<hbm>>
      tpu.wait_indirect_dma semaphore(%arg11 : memref<!tpu.dma_semaphore, #tpu.memory_space<semaphore_mem>>) src(%dma_wait3A_27 : memref<10000x128xf32, #tpu.memory_space<hbm>>) dst(%arg9 : memref<128x128xf32, #tpu.memory_space<vmem>>)
      "tpu.region"() ({
        %run_scoped3A = tpu.sem_alloc : memref<!tpu.dma_semaphore, #tpu.memory_space<semaphore_mem>>
        %dma_start3A_28 = arith.constant 0 : i32
        %dma_start3A_29 = arith.constant 0 : i32
        %dma_start3A_30 = tpu.memref_slice %arg10[%dma_start3A_28, %dma_start3A_29] : memref<10112x128xf32, #tpu.memory_space<vmem_shared>> -> memref<10112x128xf32, #tpu.memory_space<vmem_shared>>
        tpu.enqueue_indirect_dma source(%arg9 : memref<128x128xf32, #tpu.memory_space<vmem>>) target(%dma_start3A_30 : memref<10112x128xf32, #tpu.memory_space<vmem_shared>>) offsets(%arg8 : memref<128xi32, #tpu.memory_space<vmem>>) semaphore(%run_scoped3A : memref<!tpu.dma_semaphore, #tpu.memory_space<semaphore_mem>>) {add = true}
        %dma_wait3A_31 = arith.constant 0 : i32
        %dma_wait3A_32 = arith.constant 0 : i32
        %dma_wait3A_33 = tpu.memref_slice %arg10[%dma_wait3A_31, %dma_wait3A_32] : memref<10112x128xf32, #tpu.memory_space<vmem_shared>> -> memref<10112x128xf32, #tpu.memory_space<vmem_shared>>
        tpu.wait_indirect_dma semaphore(%run_scoped3A : memref<!tpu.dma_semaphore, #tpu.memory_space<semaphore_mem>>) src(%arg9 : memref<128x128xf32, #tpu.memory_space<vmem>>) dst(%dma_wait3A_33 : memref<10112x128xf32, #tpu.memory_space<vmem_shared>>)
        tpu.yield
      }) : () -> ()
    }
    %barrier3A_14 = arith.constant 0 : index
    tpu.barrier barrier_id(%barrier3A_14)
    %mul3A_15 = arith.constant 10112 : i32
    %mul3A_16 = arith.muli %arg0, %mul3A_15 : i32
    %add3A_17 = arith.addi %mul3A_16, %mul3A_2 : i32
    "tpu.region"() ({
      %run_scoped3A = tpu.sem_alloc : memref<!tpu.dma_semaphore, #tpu.memory_space<semaphore_mem>>
      %dma_start3A = arith.constant 0 : i32
      %dma_start3A_18 = tpu.memref_slice %arg6[%add3A_17, %dma_start3A] : memref<20224x128xf32, #tpu.memory_space<hbm>> -> memref<632x128xf32, #tpu.memory_space<hbm>>
      %dma_start3A_19 = arith.constant 0 : i32
      %dma_start3A_20 = tpu.memref_slice %arg10[%mul3A_2, %dma_start3A_19] : memref<10112x128xf32, #tpu.memory_space<vmem_shared>> -> memref<632x128xf32, #tpu.memory_space<vmem_shared>>
      tpu.enqueue_dma source(%dma_start3A_20 : memref<632x128xf32, #tpu.memory_space<vmem_shared>>) target(%dma_start3A_18 : memref<632x128xf32, #tpu.memory_space<hbm>>) target_semaphore(%run_scoped3A : memref<!tpu.dma_semaphore, #tpu.memory_space<semaphore_mem>>)
      %dma_wait3A = arith.constant 0 : i32
      %dma_wait3A_21 = tpu.memref_slice %arg6[%add3A_17, %dma_wait3A] : memref<20224x128xf32, #tpu.memory_space<hbm>> -> memref<632x128xf32, #tpu.memory_space<hbm>>
      %dma_wait3A_22 = arith.constant 0 : i32
      %dma_wait3A_23 = tpu.memref_slice %arg10[%mul3A_2, %dma_wait3A_22] : memref<10112x128xf32, #tpu.memory_space<vmem_shared>> -> memref<632x128xf32, #tpu.memory_space<vmem_shared>>
      tpu.wait_dma2 semaphore(%run_scoped3A : memref<!tpu.dma_semaphore, #tpu.memory_space<semaphore_mem>>) src(%dma_wait3A_23 : memref<632x128xf32, #tpu.memory_space<vmem_shared>>) dst(%dma_wait3A_21 : memref<632x128xf32, #tpu.memory_space<hbm>>)
      tpu.yield
    }) : () -> ()
    return
  }
}

module attributes {stable_mosaic.version = 14 : i64} {
  func.func @body(%arg0: memref<10000x128xf32, #tpu.memory_space<vmem>>, %arg1: memref<20224x128xf32, #tpu.memory_space<vmem>>, %arg2: memref<128x128xf32, #tpu.memory_space<vmem>>, %arg3: memref<1x128xf32, #tpu.memory_space<vmem>>, %arg4: memref<1x128xf32, #tpu.memory_space<vmem>>, %arg5: memref<1x128xf32, #tpu.memory_space<vmem>>, %arg6: memref<128x128xf32, #tpu.memory_space<vmem>>, %arg7: memref<1x128xf32, #tpu.memory_space<vmem>>, %arg8: memref<1x128xf32, #tpu.memory_space<vmem>>, %arg9: memref<1x128xf32, #tpu.memory_space<vmem>>, %arg10: memref<10000x128xf32, #tpu.memory_space<vmem>>) attributes {dimension_semantics = [], scalar_prefetch = 0 : i64, scratch_operands = 0 : i64, tpu.core_type = #tpu.core_type<tc>} {
    %get3A = arith.constant 0 : index
    %get3A_0 = arith.constant 0 : index
    %get3A_1 = vector.load %arg0[%get3A, %get3A_0] : memref<10000x128xf32, #tpu.memory_space<vmem>>, vector<10000x128xf32>
    %get3A_2 = arith.constant 0 : index
    %get3A_3 = arith.constant 0 : index
    %get3A_4 = vector.load %arg1[%get3A_2, %get3A_3] : memref<20224x128xf32, #tpu.memory_space<vmem>>, vector<10000x128xf32>
    %add3A = arith.addf %get3A_1, %get3A_4 : vector<10000x128xf32>
    %get3A_5 = arith.constant 10112 : index
    %get3A_6 = arith.constant 0 : index
    %get3A_7 = vector.load %arg1[%get3A_5, %get3A_6] : memref<20224x128xf32, #tpu.memory_space<vmem>>, vector<10000x128xf32>
    %add3A_8 = arith.addf %add3A, %get3A_7 : vector<10000x128xf32>
    %get3A_9 = arith.constant 0 : index
    %get3A_10 = arith.constant 0 : index
    %get3A_11 = vector.load %arg2[%get3A_9, %get3A_10] : memref<128x128xf32, #tpu.memory_space<vmem>>, vector<128x128xf32>
    %dot_general3A = arith.constant dense<0.000000e+00> : vector<10000x128xf32>
    %dot_general3A_12 = tpu.matmul %add3A_8, %get3A_11, %dot_general3A {dimension_numbers = #tpu.dot_dimension_numbers<[1], [0], [0], [1], [0, 0, 1, 1], [], []>, precision = #tpu.contract_precision<fp32>, transpose_lhs_hint = false} : vector<10000x128xf32>, vector<128x128xf32>, vector<10000x128xf32> -> vector<10000x128xf32>
    %get3A_13 = arith.constant 0 : index
    %get3A_14 = arith.constant 0 : index
    %get3A_15 = vector.load %arg3[%get3A_13, %get3A_14] : memref<1x128xf32, #tpu.memory_space<vmem>>, vector<1x128xf32>
    %add3A_16 = vector.broadcast %get3A_15 : vector<1x128xf32> to vector<10000x128xf32>
    %add3A_17 = arith.addf %dot_general3A_12, %add3A_16 : vector<10000x128xf32>
    %get3A_18 = arith.constant 0 : index
    %get3A_19 = arith.constant 0 : index
    %get3A_20 = vector.load %arg4[%get3A_18, %get3A_19] : memref<1x128xf32, #tpu.memory_space<vmem>>, vector<1x128xf32>
    %get3A_21 = arith.constant 0 : index
    %get3A_22 = arith.constant 0 : index
    %get3A_23 = vector.load %arg5[%get3A_21, %get3A_22] : memref<1x128xf32, #tpu.memory_space<vmem>>, vector<1x128xf32>
    %reduce_sum3A = arith.constant dense<0.000000e+00> : vector<128xf32>
    %reduce_sum3A_24 = vector.multi_reduction <add>, %add3A_17, %reduce_sum3A [0] : vector<10000x128xf32> to vector<128xf32>
    %broadcast_in_dim3A = vector.shape_cast %reduce_sum3A_24 : vector<128xf32> to vector<1x128xf32>
    %div3A = arith.constant 1.000000e+04 : f32
    %div3A_25 = vector.broadcast %div3A : f32 to vector<1x128xf32>
    %div3A_26 = arith.divf %broadcast_in_dim3A, %div3A_25 : vector<1x128xf32>
    %sub3A = vector.broadcast %div3A_26 : vector<1x128xf32> to vector<10000x128xf32>
    %sub3A_27 = arith.subf %add3A_17, %sub3A : vector<10000x128xf32>
    %mul3A = arith.mulf %sub3A_27, %sub3A_27 : vector<10000x128xf32>
    %reduce_sum3A_28 = arith.constant dense<0.000000e+00> : vector<128xf32>
    %reduce_sum3A_29 = vector.multi_reduction <add>, %mul3A, %reduce_sum3A_28 [0] : vector<10000x128xf32> to vector<128xf32>
    %broadcast_in_dim3A_30 = vector.shape_cast %reduce_sum3A_29 : vector<128xf32> to vector<1x128xf32>
    %div3A_31 = arith.constant 1.000000e+04 : f32
    %div3A_32 = vector.broadcast %div3A_31 : f32 to vector<1x128xf32>
    %div3A_33 = arith.divf %broadcast_in_dim3A_30, %div3A_32 : vector<1x128xf32>
    %add3A_34 = arith.constant 9.99999974E-6 : f32
    %add3A_35 = vector.broadcast %add3A_34 : f32 to vector<1x128xf32>
    %add3A_36 = arith.addf %div3A_33, %add3A_35 : vector<1x128xf32>
    %rsqrt3A = math.rsqrt %add3A_36 : vector<1x128xf32>
    %mul3A_37 = arith.constant 5.000000e-01 : f32
    %mul3A_38 = vector.broadcast %mul3A_37 : f32 to vector<1x128xf32>
    %mul3A_39 = arith.mulf %mul3A_38, %add3A_36 : vector<1x128xf32>
    %mul3A_40 = arith.mulf %mul3A_39, %rsqrt3A : vector<1x128xf32>
    %mul3A_41 = arith.mulf %mul3A_40, %rsqrt3A : vector<1x128xf32>
    %sub3A_42 = arith.constant 1.500000e+00 : f32
    %sub3A_43 = vector.broadcast %sub3A_42 : f32 to vector<1x128xf32>
    %sub3A_44 = arith.subf %sub3A_43, %mul3A_41 : vector<1x128xf32>
    %mul3A_45 = arith.mulf %rsqrt3A, %sub3A_44 : vector<1x128xf32>
    %mul3A_46 = arith.constant 5.000000e-01 : f32
    %mul3A_47 = vector.broadcast %mul3A_46 : f32 to vector<1x128xf32>
    %mul3A_48 = arith.mulf %mul3A_47, %add3A_36 : vector<1x128xf32>
    %mul3A_49 = arith.mulf %mul3A_48, %mul3A_45 : vector<1x128xf32>
    %mul3A_50 = arith.mulf %mul3A_49, %mul3A_45 : vector<1x128xf32>
    %sub3A_51 = arith.constant 1.500000e+00 : f32
    %sub3A_52 = vector.broadcast %sub3A_51 : f32 to vector<1x128xf32>
    %sub3A_53 = arith.subf %sub3A_52, %mul3A_50 : vector<1x128xf32>
    %mul3A_54 = arith.mulf %mul3A_45, %sub3A_53 : vector<1x128xf32>
    %mul3A_55 = vector.broadcast %mul3A_54 : vector<1x128xf32> to vector<10000x128xf32>
    %mul3A_56 = arith.mulf %sub3A_27, %mul3A_55 : vector<10000x128xf32>
    %mul3A_57 = vector.broadcast %get3A_20 : vector<1x128xf32> to vector<10000x128xf32>
    %mul3A_58 = arith.mulf %mul3A_56, %mul3A_57 : vector<10000x128xf32>
    %add3A_59 = vector.broadcast %get3A_23 : vector<1x128xf32> to vector<10000x128xf32>
    %add3A_60 = arith.addf %mul3A_58, %add3A_59 : vector<10000x128xf32>
    %max3A = arith.constant 0.000000e+00 : f32
    %max3A_61 = vector.broadcast %max3A : f32 to vector<10000x128xf32>
    %max3A_62 = arith.maximumf %add3A_60, %max3A_61 : vector<10000x128xf32>
    %get3A_63 = arith.constant 0 : index
    %get3A_64 = arith.constant 0 : index
    %get3A_65 = vector.load %arg6[%get3A_63, %get3A_64] : memref<128x128xf32, #tpu.memory_space<vmem>>, vector<128x128xf32>
    %dot_general3A_66 = arith.constant dense<0.000000e+00> : vector<10000x128xf32>
    %dot_general3A_67 = tpu.matmul %max3A_62, %get3A_65, %dot_general3A_66 {dimension_numbers = #tpu.dot_dimension_numbers<[1], [0], [0], [1], [0, 0, 1, 1], [], []>, precision = #tpu.contract_precision<fp32>, transpose_lhs_hint = false} : vector<10000x128xf32>, vector<128x128xf32>, vector<10000x128xf32> -> vector<10000x128xf32>
    %get3A_68 = arith.constant 0 : index
    %get3A_69 = arith.constant 0 : index
    %get3A_70 = vector.load %arg7[%get3A_68, %get3A_69] : memref<1x128xf32, #tpu.memory_space<vmem>>, vector<1x128xf32>
    %add3A_71 = vector.broadcast %get3A_70 : vector<1x128xf32> to vector<10000x128xf32>
    %add3A_72 = arith.addf %dot_general3A_67, %add3A_71 : vector<10000x128xf32>
    %get3A_73 = arith.constant 0 : index
    %get3A_74 = arith.constant 0 : index
    %get3A_75 = vector.load %arg8[%get3A_73, %get3A_74] : memref<1x128xf32, #tpu.memory_space<vmem>>, vector<1x128xf32>
    %get3A_76 = arith.constant 0 : index
    %get3A_77 = arith.constant 0 : index
    %get3A_78 = vector.load %arg9[%get3A_76, %get3A_77] : memref<1x128xf32, #tpu.memory_space<vmem>>, vector<1x128xf32>
    %reduce_sum3A_79 = arith.constant dense<0.000000e+00> : vector<128xf32>
    %reduce_sum3A_80 = vector.multi_reduction <add>, %add3A_72, %reduce_sum3A_79 [0] : vector<10000x128xf32> to vector<128xf32>
    %broadcast_in_dim3A_81 = vector.shape_cast %reduce_sum3A_80 : vector<128xf32> to vector<1x128xf32>
    %div3A_82 = arith.constant 1.000000e+04 : f32
    %div3A_83 = vector.broadcast %div3A_82 : f32 to vector<1x128xf32>
    %div3A_84 = arith.divf %broadcast_in_dim3A_81, %div3A_83 : vector<1x128xf32>
    %sub3A_85 = vector.broadcast %div3A_84 : vector<1x128xf32> to vector<10000x128xf32>
    %sub3A_86 = arith.subf %add3A_72, %sub3A_85 : vector<10000x128xf32>
    %mul3A_87 = arith.mulf %sub3A_86, %sub3A_86 : vector<10000x128xf32>
    %reduce_sum3A_88 = arith.constant dense<0.000000e+00> : vector<128xf32>
    %reduce_sum3A_89 = vector.multi_reduction <add>, %mul3A_87, %reduce_sum3A_88 [0] : vector<10000x128xf32> to vector<128xf32>
    %broadcast_in_dim3A_90 = vector.shape_cast %reduce_sum3A_89 : vector<128xf32> to vector<1x128xf32>
    %div3A_91 = arith.constant 1.000000e+04 : f32
    %div3A_92 = vector.broadcast %div3A_91 : f32 to vector<1x128xf32>
    %div3A_93 = arith.divf %broadcast_in_dim3A_90, %div3A_92 : vector<1x128xf32>
    %add3A_94 = arith.constant 9.99999974E-6 : f32
    %add3A_95 = vector.broadcast %add3A_94 : f32 to vector<1x128xf32>
    %add3A_96 = arith.addf %div3A_93, %add3A_95 : vector<1x128xf32>
    %rsqrt3A_97 = math.rsqrt %add3A_96 : vector<1x128xf32>
    %mul3A_98 = arith.constant 5.000000e-01 : f32
    %mul3A_99 = vector.broadcast %mul3A_98 : f32 to vector<1x128xf32>
    %mul3A_100 = arith.mulf %mul3A_99, %add3A_96 : vector<1x128xf32>
    %mul3A_101 = arith.mulf %mul3A_100, %rsqrt3A_97 : vector<1x128xf32>
    %mul3A_102 = arith.mulf %mul3A_101, %rsqrt3A_97 : vector<1x128xf32>
    %sub3A_103 = arith.constant 1.500000e+00 : f32
    %sub3A_104 = vector.broadcast %sub3A_103 : f32 to vector<1x128xf32>
    %sub3A_105 = arith.subf %sub3A_104, %mul3A_102 : vector<1x128xf32>
    %mul3A_106 = arith.mulf %rsqrt3A_97, %sub3A_105 : vector<1x128xf32>
    %mul3A_107 = arith.constant 5.000000e-01 : f32
    %mul3A_108 = vector.broadcast %mul3A_107 : f32 to vector<1x128xf32>
    %mul3A_109 = arith.mulf %mul3A_108, %add3A_96 : vector<1x128xf32>
    %mul3A_110 = arith.mulf %mul3A_109, %mul3A_106 : vector<1x128xf32>
    %mul3A_111 = arith.mulf %mul3A_110, %mul3A_106 : vector<1x128xf32>
    %sub3A_112 = arith.constant 1.500000e+00 : f32
    %sub3A_113 = vector.broadcast %sub3A_112 : f32 to vector<1x128xf32>
    %sub3A_114 = arith.subf %sub3A_113, %mul3A_111 : vector<1x128xf32>
    %mul3A_115 = arith.mulf %mul3A_106, %sub3A_114 : vector<1x128xf32>
    %mul3A_116 = vector.broadcast %mul3A_115 : vector<1x128xf32> to vector<10000x128xf32>
    %mul3A_117 = arith.mulf %sub3A_86, %mul3A_116 : vector<10000x128xf32>
    %mul3A_118 = vector.broadcast %get3A_75 : vector<1x128xf32> to vector<10000x128xf32>
    %mul3A_119 = arith.mulf %mul3A_117, %mul3A_118 : vector<10000x128xf32>
    %add3A_120 = vector.broadcast %get3A_78 : vector<1x128xf32> to vector<10000x128xf32>
    %add3A_121 = arith.addf %mul3A_119, %add3A_120 : vector<10000x128xf32>
    %max3A_122 = arith.constant 0.000000e+00 : f32
    %max3A_123 = vector.broadcast %max3A_122 : f32 to vector<10000x128xf32>
    %max3A_124 = arith.maximumf %add3A_121, %max3A_123 : vector<10000x128xf32>
    %swap3A = arith.constant 0 : index
    %swap3A_125 = arith.constant 0 : index
    %swap3A_126 = vector.load %arg10[%swap3A, %swap3A_125] : memref<10000x128xf32, #tpu.memory_space<vmem>>, vector<10000x128xf32>
    tpu.vector_store %arg10[%swap3A, %swap3A_125], %max3A_124 {strides = array<i32>} : memref<10000x128xf32, #tpu.memory_space<vmem>>, vector<10000x128xf32>,
    return
  }
}

module attributes {stable_mosaic.version = 14 : i64} {
  func.func @body(%arg0: memref<10000x128xf32, #tpu.memory_space<vmem>>, %arg1: memref<20224x128xf32, #tpu.memory_space<vmem>>, %arg2: memref<128x128xf32, #tpu.memory_space<vmem>>, %arg3: memref<1x128xf32, #tpu.memory_space<vmem>>, %arg4: memref<1x128xf32, #tpu.memory_space<vmem>>, %arg5: memref<1x128xf32, #tpu.memory_space<vmem>>, %arg6: memref<128x128xf32, #tpu.memory_space<vmem>>, %arg7: memref<1x128xf32, #tpu.memory_space<vmem>>, %arg8: memref<1x128xf32, #tpu.memory_space<vmem>>, %arg9: memref<1x128xf32, #tpu.memory_space<vmem>>, %arg10: memref<1x10000xi32, #tpu.memory_space<vmem>>, %arg11: memref<128x128xf32, #tpu.memory_space<vmem>>, %arg12: memref<1x128xf32, #tpu.memory_space<vmem>>, %arg13: memref<64x128xf32, #tpu.memory_space<vmem>>) attributes {dimension_semantics = [], scalar_prefetch = 0 : i64, scratch_operands = 0 : i64, tpu.core_type = #tpu.core_type<tc>} {
    %get3A = arith.constant 0 : index
    %get3A_0 = arith.constant 0 : index
    %get3A_1 = vector.load %arg0[%get3A, %get3A_0] : memref<10000x128xf32, #tpu.memory_space<vmem>>, vector<10000x128xf32>
    %get3A_2 = arith.constant 0 : index
    %get3A_3 = arith.constant 0 : index
    %get3A_4 = vector.load %arg1[%get3A_2, %get3A_3] : memref<20224x128xf32, #tpu.memory_space<vmem>>, vector<10000x128xf32>
    %add3A = arith.addf %get3A_1, %get3A_4 : vector<10000x128xf32>
    %get3A_5 = arith.constant 10112 : index
    %get3A_6 = arith.constant 0 : index
    %get3A_7 = vector.load %arg1[%get3A_5, %get3A_6] : memref<20224x128xf32, #tpu.memory_space<vmem>>, vector<10000x128xf32>
    %add3A_8 = arith.addf %add3A, %get3A_7 : vector<10000x128xf32>
    %get3A_9 = arith.constant 0 : index
    %get3A_10 = arith.constant 0 : index
    %get3A_11 = vector.load %arg2[%get3A_9, %get3A_10] : memref<128x128xf32, #tpu.memory_space<vmem>>, vector<128x128xf32>
    %dot_general3A = arith.constant dense<0.000000e+00> : vector<10000x128xf32>
    %dot_general3A_12 = tpu.matmul %add3A_8, %get3A_11, %dot_general3A {dimension_numbers = #tpu.dot_dimension_numbers<[1], [0], [0], [1], [0, 0, 1, 1], [], []>, precision = #tpu.contract_precision<fp32>, transpose_lhs_hint = false} : vector<10000x128xf32>, vector<128x128xf32>, vector<10000x128xf32> -> vector<10000x128xf32>
    %get3A_13 = arith.constant 0 : index
    %get3A_14 = arith.constant 0 : index
    %get3A_15 = vector.load %arg3[%get3A_13, %get3A_14] : memref<1x128xf32, #tpu.memory_space<vmem>>, vector<1x128xf32>
    %add3A_16 = vector.broadcast %get3A_15 : vector<1x128xf32> to vector<10000x128xf32>
    %add3A_17 = arith.addf %dot_general3A_12, %add3A_16 : vector<10000x128xf32>
    %get3A_18 = arith.constant 0 : index
    %get3A_19 = arith.constant 0 : index
    %get3A_20 = vector.load %arg4[%get3A_18, %get3A_19] : memref<1x128xf32, #tpu.memory_space<vmem>>, vector<1x128xf32>
    %get3A_21 = arith.constant 0 : index
    %get3A_22 = arith.constant 0 : index
    %get3A_23 = vector.load %arg5[%get3A_21, %get3A_22] : memref<1x128xf32, #tpu.memory_space<vmem>>, vector<1x128xf32>
    %reduce_sum3A = arith.constant dense<0.000000e+00> : vector<128xf32>
    %reduce_sum3A_24 = vector.multi_reduction <add>, %add3A_17, %reduce_sum3A [0] : vector<10000x128xf32> to vector<128xf32>
    %broadcast_in_dim3A = vector.shape_cast %reduce_sum3A_24 : vector<128xf32> to vector<1x128xf32>
    %div3A = arith.constant 1.000000e+04 : f32
    %div3A_25 = vector.broadcast %div3A : f32 to vector<1x128xf32>
    %div3A_26 = arith.divf %broadcast_in_dim3A, %div3A_25 : vector<1x128xf32>
    %sub3A = vector.broadcast %div3A_26 : vector<1x128xf32> to vector<10000x128xf32>
    %sub3A_27 = arith.subf %add3A_17, %sub3A : vector<10000x128xf32>
    %mul3A = arith.mulf %sub3A_27, %sub3A_27 : vector<10000x128xf32>
    %reduce_sum3A_28 = arith.constant dense<0.000000e+00> : vector<128xf32>
    %reduce_sum3A_29 = vector.multi_reduction <add>, %mul3A, %reduce_sum3A_28 [0] : vector<10000x128xf32> to vector<128xf32>
    %broadcast_in_dim3A_30 = vector.shape_cast %reduce_sum3A_29 : vector<128xf32> to vector<1x128xf32>
    %div3A_31 = arith.constant 1.000000e+04 : f32
    %div3A_32 = vector.broadcast %div3A_31 : f32 to vector<1x128xf32>
    %div3A_33 = arith.divf %broadcast_in_dim3A_30, %div3A_32 : vector<1x128xf32>
    %add3A_34 = arith.constant 9.99999974E-6 : f32
    %add3A_35 = vector.broadcast %add3A_34 : f32 to vector<1x128xf32>
    %add3A_36 = arith.addf %div3A_33, %add3A_35 : vector<1x128xf32>
    %rsqrt3A = math.rsqrt %add3A_36 : vector<1x128xf32>
    %mul3A_37 = arith.constant 5.000000e-01 : f32
    %mul3A_38 = vector.broadcast %mul3A_37 : f32 to vector<1x128xf32>
    %mul3A_39 = arith.mulf %mul3A_38, %add3A_36 : vector<1x128xf32>
    %mul3A_40 = arith.mulf %mul3A_39, %rsqrt3A : vector<1x128xf32>
    %mul3A_41 = arith.mulf %mul3A_40, %rsqrt3A : vector<1x128xf32>
    %sub3A_42 = arith.constant 1.500000e+00 : f32
    %sub3A_43 = vector.broadcast %sub3A_42 : f32 to vector<1x128xf32>
    %sub3A_44 = arith.subf %sub3A_43, %mul3A_41 : vector<1x128xf32>
    %mul3A_45 = arith.mulf %rsqrt3A, %sub3A_44 : vector<1x128xf32>
    %mul3A_46 = arith.constant 5.000000e-01 : f32
    %mul3A_47 = vector.broadcast %mul3A_46 : f32 to vector<1x128xf32>
    %mul3A_48 = arith.mulf %mul3A_47, %add3A_36 : vector<1x128xf32>
    %mul3A_49 = arith.mulf %mul3A_48, %mul3A_45 : vector<1x128xf32>
    %mul3A_50 = arith.mulf %mul3A_49, %mul3A_45 : vector<1x128xf32>
    %sub3A_51 = arith.constant 1.500000e+00 : f32
    %sub3A_52 = vector.broadcast %sub3A_51 : f32 to vector<1x128xf32>
    %sub3A_53 = arith.subf %sub3A_52, %mul3A_50 : vector<1x128xf32>
    %mul3A_54 = arith.mulf %mul3A_45, %sub3A_53 : vector<1x128xf32>
    %mul3A_55 = vector.broadcast %mul3A_54 : vector<1x128xf32> to vector<10000x128xf32>
    %mul3A_56 = arith.mulf %sub3A_27, %mul3A_55 : vector<10000x128xf32>
    %mul3A_57 = vector.broadcast %get3A_20 : vector<1x128xf32> to vector<10000x128xf32>
    %mul3A_58 = arith.mulf %mul3A_56, %mul3A_57 : vector<10000x128xf32>
    %add3A_59 = vector.broadcast %get3A_23 : vector<1x128xf32> to vector<10000x128xf32>
    %add3A_60 = arith.addf %mul3A_58, %add3A_59 : vector<10000x128xf32>
    %max3A = arith.constant 0.000000e+00 : f32
    %max3A_61 = vector.broadcast %max3A : f32 to vector<10000x128xf32>
    %max3A_62 = arith.maximumf %add3A_60, %max3A_61 : vector<10000x128xf32>
    %get3A_63 = arith.constant 0 : index
    %get3A_64 = arith.constant 0 : index
    %get3A_65 = vector.load %arg6[%get3A_63, %get3A_64] : memref<128x128xf32, #tpu.memory_space<vmem>>, vector<128x128xf32>
    %dot_general3A_66 = arith.constant dense<0.000000e+00> : vector<10000x128xf32>
    %dot_general3A_67 = tpu.matmul %max3A_62, %get3A_65, %dot_general3A_66 {dimension_numbers = #tpu.dot_dimension_numbers<[1], [0], [0], [1], [0, 0, 1, 1], [], []>, precision = #tpu.contract_precision<fp32>, transpose_lhs_hint = false} : vector<10000x128xf32>, vector<128x128xf32>, vector<10000x128xf32> -> vector<10000x128xf32>
    %get3A_68 = arith.constant 0 : index
    %get3A_69 = arith.constant 0 : index
    %get3A_70 = vector.load %arg7[%get3A_68, %get3A_69] : memref<1x128xf32, #tpu.memory_space<vmem>>, vector<1x128xf32>
    %add3A_71 = vector.broadcast %get3A_70 : vector<1x128xf32> to vector<10000x128xf32>
    %add3A_72 = arith.addf %dot_general3A_67, %add3A_71 : vector<10000x128xf32>
    %get3A_73 = arith.constant 0 : index
    %get3A_74 = arith.constant 0 : index
    %get3A_75 = vector.load %arg8[%get3A_73, %get3A_74] : memref<1x128xf32, #tpu.memory_space<vmem>>, vector<1x128xf32>
    %get3A_76 = arith.constant 0 : index
    %get3A_77 = arith.constant 0 : index
    %get3A_78 = vector.load %arg9[%get3A_76, %get3A_77] : memref<1x128xf32, #tpu.memory_space<vmem>>, vector<1x128xf32>
    %reduce_sum3A_79 = arith.constant dense<0.000000e+00> : vector<128xf32>
    %reduce_sum3A_80 = vector.multi_reduction <add>, %add3A_72, %reduce_sum3A_79 [0] : vector<10000x128xf32> to vector<128xf32>
    %broadcast_in_dim3A_81 = vector.shape_cast %reduce_sum3A_80 : vector<128xf32> to vector<1x128xf32>
    %div3A_82 = arith.constant 1.000000e+04 : f32
    %div3A_83 = vector.broadcast %div3A_82 : f32 to vector<1x128xf32>
    %div3A_84 = arith.divf %broadcast_in_dim3A_81, %div3A_83 : vector<1x128xf32>
    %sub3A_85 = vector.broadcast %div3A_84 : vector<1x128xf32> to vector<10000x128xf32>
    %sub3A_86 = arith.subf %add3A_72, %sub3A_85 : vector<10000x128xf32>
    %mul3A_87 = arith.mulf %sub3A_86, %sub3A_86 : vector<10000x128xf32>
    %reduce_sum3A_88 = arith.constant dense<0.000000e+00> : vector<128xf32>
    %reduce_sum3A_89 = vector.multi_reduction <add>, %mul3A_87, %reduce_sum3A_88 [0] : vector<10000x128xf32> to vector<128xf32>
    %broadcast_in_dim3A_90 = vector.shape_cast %reduce_sum3A_89 : vector<128xf32> to vector<1x128xf32>
    %div3A_91 = arith.constant 1.000000e+04 : f32
    %div3A_92 = vector.broadcast %div3A_91 : f32 to vector<1x128xf32>
    %div3A_93 = arith.divf %broadcast_in_dim3A_90, %div3A_92 : vector<1x128xf32>
    %add3A_94 = arith.constant 9.99999974E-6 : f32
    %add3A_95 = vector.broadcast %add3A_94 : f32 to vector<1x128xf32>
    %add3A_96 = arith.addf %div3A_93, %add3A_95 : vector<1x128xf32>
    %rsqrt3A_97 = math.rsqrt %add3A_96 : vector<1x128xf32>
    %mul3A_98 = arith.constant 5.000000e-01 : f32
    %mul3A_99 = vector.broadcast %mul3A_98 : f32 to vector<1x128xf32>
    %mul3A_100 = arith.mulf %mul3A_99, %add3A_96 : vector<1x128xf32>
    %mul3A_101 = arith.mulf %mul3A_100, %rsqrt3A_97 : vector<1x128xf32>
    %mul3A_102 = arith.mulf %mul3A_101, %rsqrt3A_97 : vector<1x128xf32>
    %sub3A_103 = arith.constant 1.500000e+00 : f32
    %sub3A_104 = vector.broadcast %sub3A_103 : f32 to vector<1x128xf32>
    %sub3A_105 = arith.subf %sub3A_104, %mul3A_102 : vector<1x128xf32>
    %mul3A_106 = arith.mulf %rsqrt3A_97, %sub3A_105 : vector<1x128xf32>
    %mul3A_107 = arith.constant 5.000000e-01 : f32
    %mul3A_108 = vector.broadcast %mul3A_107 : f32 to vector<1x128xf32>
    %mul3A_109 = arith.mulf %mul3A_108, %add3A_96 : vector<1x128xf32>
    %mul3A_110 = arith.mulf %mul3A_109, %mul3A_106 : vector<1x128xf32>
    %mul3A_111 = arith.mulf %mul3A_110, %mul3A_106 : vector<1x128xf32>
    %sub3A_112 = arith.constant 1.500000e+00 : f32
    %sub3A_113 = vector.broadcast %sub3A_112 : f32 to vector<1x128xf32>
    %sub3A_114 = arith.subf %sub3A_113, %mul3A_111 : vector<1x128xf32>
    %mul3A_115 = arith.mulf %mul3A_106, %sub3A_114 : vector<1x128xf32>
    %mul3A_116 = vector.broadcast %mul3A_115 : vector<1x128xf32> to vector<10000x128xf32>
    %mul3A_117 = arith.mulf %sub3A_86, %mul3A_116 : vector<10000x128xf32>
    %mul3A_118 = vector.broadcast %get3A_75 : vector<1x128xf32> to vector<10000x128xf32>
    %mul3A_119 = arith.mulf %mul3A_117, %mul3A_118 : vector<10000x128xf32>
    %add3A_120 = vector.broadcast %get3A_78 : vector<1x128xf32> to vector<10000x128xf32>
    %add3A_121 = arith.addf %mul3A_119, %add3A_120 : vector<10000x128xf32>
    %max3A_122 = arith.constant 0.000000e+00 : f32
    %max3A_123 = vector.broadcast %max3A_122 : f32 to vector<10000x128xf32>
    %max3A_124 = arith.maximumf %add3A_121, %max3A_123 : vector<10000x128xf32>
    %iota3A = tpu.iota {dimensions = array<i32: 0>} : vector<64x10000xi32>
    %get3A_125 = arith.constant 0 : index
    %get3A_126 = arith.constant 0 : index
    %get3A_127 = vector.load %arg10[%get3A_125, %get3A_126] : memref<1x10000xi32, #tpu.memory_space<vmem>>, vector<1x10000xi32>
    %eq3A = vector.broadcast %get3A_127 : vector<1x10000xi32> to vector<64x10000xi32>
    %eq3A_128 = arith.cmpi eq, %iota3A, %eq3A : vector<64x10000xi32>
    %convert_element_type3A = arith.extui %eq3A_128 : vector<64x10000xi1> to vector<64x10000xi32>
    %convert_element_type3A_129 = arith.sitofp %convert_element_type3A : vector<64x10000xi32> to vector<64x10000xf32>
    %dot_general3A_130 = arith.constant dense<0.000000e+00> : vector<64x128xf32>
    %dot_general3A_131 = tpu.matmul %convert_element_type3A_129, %max3A_124, %dot_general3A_130 {dimension_numbers = #tpu.dot_dimension_numbers<[1], [0], [0], [1], [0, 0, 1, 1], [], []>, precision = #tpu.contract_precision<fp32>, transpose_lhs_hint = false} : vector<64x10000xf32>, vector<10000x128xf32>, vector<64x128xf32> -> vector<64x128xf32>
    %reduce_sum3A_132 = arith.constant dense<0.000000e+00> : vector<64xf32>
    %reduce_sum3A_133 = vector.multi_reduction <add>, %convert_element_type3A_129, %reduce_sum3A_132 [1] : vector<64x10000xf32> to vector<64xf32>
    %broadcast_in_dim3A_134 = vector.shape_cast %reduce_sum3A_133 : vector<64xf32> to vector<64x1xf32>
    %max3A_135 = arith.constant 1.000000e+00 : f32
    %max3A_136 = vector.broadcast %max3A_135 : f32 to vector<64x1xf32>
    %max3A_137 = arith.maximumf %broadcast_in_dim3A_134, %max3A_136 : vector<64x1xf32>
    %div3A_138 = vector.broadcast %max3A_137 : vector<64x1xf32> to vector<64x128xf32>
    %div3A_139 = arith.divf %dot_general3A_131, %div3A_138 : vector<64x128xf32>
    %get3A_140 = arith.constant 0 : index
    %get3A_141 = arith.constant 0 : index
    %get3A_142 = vector.load %arg11[%get3A_140, %get3A_141] : memref<128x128xf32, #tpu.memory_space<vmem>>, vector<128x128xf32>
    %dot_general3A_143 = arith.constant dense<0.000000e+00> : vector<64x128xf32>
    %dot_general3A_144 = tpu.matmul %div3A_139, %get3A_142, %dot_general3A_143 {dimension_numbers = #tpu.dot_dimension_numbers<[1], [0], [0], [1], [0, 0, 1, 1], [], []>, precision = #tpu.contract_precision<fp32>, transpose_lhs_hint = false} : vector<64x128xf32>, vector<128x128xf32>, vector<64x128xf32> -> vector<64x128xf32>
    %get3A_145 = arith.constant 0 : index
    %get3A_146 = arith.constant 0 : index
    %get3A_147 = vector.load %arg12[%get3A_145, %get3A_146] : memref<1x128xf32, #tpu.memory_space<vmem>>, vector<1x128xf32>
    %add3A_148 = vector.broadcast %get3A_147 : vector<1x128xf32> to vector<64x128xf32>
    %add3A_149 = arith.addf %dot_general3A_144, %add3A_148 : vector<64x128xf32>
    %swap3A = arith.constant 0 : index
    %swap3A_150 = arith.constant 0 : index
    %swap3A_151 = vector.load %arg13[%swap3A, %swap3A_150] : memref<64x128xf32, #tpu.memory_space<vmem>>, vector<64x128xf32>
    tpu.vector_store %arg13[%swap3A, %swap3A_150], %add3A_149 {strides = array<i32>} : memref<64x128xf32, #tpu.memory_space<vmem>>, vector<64x128xf32>,
    return
  }
}

</mosaic_0001>

<sc_bundles>
// kernel: kernel.6.cloned.1.call-start
scs
__scs_entry_jumppad:
0x0: {  	(pc) =	sbr.rel $0x88, $3  }
0x1: {  	(tag) =	ssettag $0x0;
	lr =	simm.s32 $0x1  }
0x2: {  	[smem:$0x3F94] =	sst lr;
	_ =	strace $0xD0000000  }
0x3: {  	_ = 	snop  }
0x4: {  	_ = 	snop  }
0x5: {  	_ = 	snop  }
0x6: {  	_ = 	snop  }
0x7: {  	_ = 	snop  }
__scs_overlays_trampoline_lowered:
0x8: {  	[smem:$0x3FA3] =	sst s0  }
0x9: {  	[smem:$0x3FA4] =	sst s1  }
0xa: {  	[smem:$0x3FA5] =	sst s2  }
0xb: {  	[smem:$0x3FA6] =	sst s3  }
0xc: {  	[smem:$0x3FA7] =	sst s4  }
0xd: {  	[smem:$0x3FA8] =	sst s5  }
0xe: {  	[smem:$0x3FA9] =	sst s6  }
0xf: {  	[smem:$0x3FAA] =	sst s7  }
0x10: {  	[smem:$0x3FAB] =	sst s8  }
0x11: {  	[smem:$0x3FAC] =	sst s9;
	s0 =	simm.s32 @!p0 $0x0  }
0x12: {  	s1 =	sld [smem:$0x3F92];
	s0 =	simm.s32 @p0 $0x1  }
0x13: {  	[smem:$0x3FAD] =	sst s0;
	s0 =	simm.s32 @!p1 $0x0  }
0x14: {  	s2 =	sld [smem:$0x3F91];
	s0 =	simm.s32 @p1 $0x1  }
0x15: {  	[smem:$0x3FAE] =	sst s0;
	s0 =	simm.s32 @!p2 $0x0  }
0x16: {  	s3 =	sld [smem:$0x3FDB];
	s0 =	simm.s32 @p2 $0x1  }
0x17: {  	s4 =	simm.s32 $0x1BF5;
	[smem:$0x3FB0] =	sst s0  }
0x18: {  	s0 =	sld [smem:$0x3F93];
	_ =	swait.ge [sflag:s4], $0x0  }
0x19: {  	s7 =	sld [smem:$0x3F94]  }
0x1a: {  	s8 =	sadd.s32 $0xFFFFE003, lr  }
0x1b: {  	s9 =	sadd.s32 $0xFFFFFEF7, lr;
	s5 =	simm.s32 $0xFFFFFFFF;
	p2 =	slt.u32 s8, $0xFFFFF086  }
0x1c: {  	p1 =	slt.u32 s9, $0xF7A;
	s5 =	simm.s32 @!p2 $0x0  }
0x1d: {  	s5 =	simm.s32 @p1 $0x1;
	p0 =	seq.s32 s7, s2  }
0x1e: {  	s7 =	smul.u32 @!p0 $0xF7A, s2;
	p2 =	seq.s32 @!p0 s5, $0x0  }
0x1f: {  	s9 =	smul.u32 $0xF7A, s1;
	s8 =	simm.s32 @!p0 $0x1BF5;
	p2 =	por !p2, p0  }
0x20: {  	[sflag:s8] =	ssyncset.s32 @!p0 $0xFFFFF086;
	s6 =	sadd.s32 @!p0 s3, s7;
	s7 =	simm.s32 @!p0 $0x108  }
0x21: {  	s3 =	sadd.s32 s3, s9;
	s6 =	sadd.s32 @!p0 $0x88, s6;
	s7 =	simm.s32 @p2 $0x1082  }
0x22: {  	[simem:s7], [sflag:s8] =	dma.local @!p0 [hbm:s6], $0xF7A  }
0x23: {  	s9 =	sor.u32 $0xD0000000, s2;
	s6 =	simm.s32 $0x108;
	_ =	swait.ge @!p0 [sflag:s8], $0x0  }
0x24: {  	s3 =	sadd.s32 $0x88, s3;
	s6 =	simm.s32 @!p1 $0x1082;
	[sflag:s4] =	ssyncset.s32 $0xFFFFF086  }
0x25: {  	[simem:s6], [sflag:s4] =	dma.local [hbm:s3], $0xF7A  }
0x26: {  	[smem:$0x3F94] =	sst s1;
	(tag) =	ssettag s2;
	_ =	strace s9  }
0x27: {  	s1 =	sld [smem:$0x3FA4]  }
0x28: {  	s2 =	sld [smem:$0x3FA5]  }
0x29: {  	s4 =	sld [smem:$0x3FA7]  }
0x2a: {  	p0 =	seq.s32 s5, $0x0;
	s5 =	sld [smem:$0x3FA8]  }
0x2b: {  	s6 =	sld [smem:$0x3FA9]  }
0x2c: {  	s7 =	sld [smem:$0x3FAA]  }
0x2d: {  	s3 =	simm.s32 $0x108;
	s8 =	sld [smem:$0x3FAB]  }
0x2e: {  	s3 =	simm.s32 @!p0 $0x1082;
	s9 =	sld [smem:$0x3FAC]  }
0x2f: {  	lr =	sadd.s32 s0, s3;
	s0 =	sld [smem:$0x3FA3]  }
0x30: {  	s3 =	sld [smem:$0x3FA6]  }
0x31: {  	[smem:$0x3FAF] =	sst s10  }
0x32: {  	s10 =	sld [smem:$0x3FAD];
	_ =	sdelay $0x3  }
0x33: {  	p0 =	seq.s32 s10, $0x1;
	s10 =	sld [smem:$0x3FAF];
	_ =	sdelay $0x3  }
0x34: {  	[smem:$0x3FAF] =	sst s10  }
0x35: {  	s10 =	sld [smem:$0x3FAE];
	_ =	sdelay $0x3  }
0x36: {  	p1 =	seq.s32 s10, $0x1;
	s10 =	sld [smem:$0x3FAF];
	_ =	sdelay $0x3  }
0x37: {  	[smem:$0x3FAF] =	sst s10  }
0x38: {  	s10 =	sld [smem:$0x3FB0]  }
0x39: {  	_ = 	snop;
	(pc) =	sbr.ind lr, $3  }
0x3a: {  	_ = 	snop  }
0x3b: {  	_ = 	snop  }
0x3c: {  	p2 =	seq.s32 s10, $0x1;
	s10 =	sld [smem:$0x3FAF]  }
0x3d: {  	_ =	shalt  }
0x3e: {  	_ =	shalt  }
0x3f: {  	_ =	shalt  }
0x40: {  	_ =	shalt  }
0x41: {  	_ =	shalt  }
0x42: {  	_ =	shalt  }
0x43: {  	_ =	shalt  }
0x44: {  	_ =	shalt  }
0x45: {  	_ =	shalt  }
0x46: {  	_ =	shalt  }
0x47: {  	_ =	shalt  }
0x48: {  	_ =	shalt  }
0x49: {  	_ =	shalt  }
0x4a: {  	_ =	shalt  }
0x4b: {  	_ =	shalt  }
0x4c: {  	_ =	shalt  }
0x4d: {  	_ =	shalt  }
0x4e: {  	_ =	shalt  }
0x4f: {  	_ =	shalt  }
0x50: {  	_ =	shalt  }
0x51: {  	_ =	shalt  }
0x52: {  	_ =	shalt  }
0x53: {  	_ =	shalt  }
0x54: {  	_ =	shalt  }
0x55: {  	_ =	shalt  }
0x56: {  	_ =	shalt  }
0x57: {  	_ =	shalt  }
0x58: {  	_ =	shalt  }
0x59: {  	_ =	shalt  }
0x5a: {  	_ =	shalt  }
0x5b: {  	_ =	shalt  }
0x5c: {  	_ =	shalt  }
0x5d: {  	_ =	shalt  }
0x5e: {  	_ =	shalt  }
0x5f: {  	_ =	shalt  }
0x60: {  	_ =	shalt  }
0x61: {  	_ =	shalt  }
0x62: {  	_ =	shalt  }
0x63: {  	_ =	shalt  }
0x64: {  	_ =	shalt  }
0x65: {  	_ =	shalt  }
0x66: {  	_ =	shalt  }
0x67: {  	_ =	shalt  }
0x68: {  	_ =	shalt  }
0x69: {  	_ =	shalt  }
0x6a: {  	_ =	shalt  }
0x6b: {  	_ =	shalt  }
0x6c: {  	_ =	shalt  }
0x6d: {  	_ =	shalt  }
0x6e: {  	_ =	shalt  }
0x6f: {  	_ =	shalt  }
0x70: {  	_ =	shalt  }
0x71: {  	_ =	shalt  }
0x72: {  	_ =	shalt  }
0x73: {  	_ =	shalt  }
0x74: {  	_ =	shalt  }
0x75: {  	_ =	shalt  }
0x76: {  	_ =	shalt  }
0x77: {  	_ =	shalt  }
0x78: {  	_ =	shalt  }
0x79: {  	_ =	shalt  }
0x7a: {  	_ =	shalt  }
0x7b: {  	_ =	shalt  }
0x7c: {  	_ =	shalt  }
0x7d: {  	_ =	shalt  }
0x7e: {  	_ =	shalt  }
0x7f: {  	_ =	shalt  }
0x80: {  	_ =	shalt  }
0x81: {  	_ =	shalt  }
0x82: {  	_ =	shalt  }
0x83: {  	_ =	shalt  }
0x84: {  	_ =	shalt  }
0x85: {  	_ =	shalt  }
0x86: {  	_ =	shalt  }
0x87: {  	_ =	shalt  }
.Lfunc_end0:
.L_simem_size_0:
called_computation_lowered:
.L_overlay_start_0:
0x88: {  	s2 =	sld [smem:$0x3FD9]  }
0x89: {  	s3 =	sld [smem:$0x3FFE];
	_ =	sdelay $0x1  }
0x8a: {  	s1 =	srdreg.scid  }
0x8b: {  	s0 =	sand.u32 $0x1, s1  }
0x8c: {  	s17 =	sshll.u32 s0, $0xA;
	s2 =	sadd.s32 s3, s2  }
0x8d: {  	s2 =	sadd.s32 s2, s17  }
0x8e: {  	[smem:$0x3FBB] =	sst s2  }
0x8f: {  	_ = 	snop  }
0x90: {  	s2 =	sld [smem:$0x3FC9];
	(tm) =	ssettm $0x1  }
0x91: {  	s18 =	sld [smem:$0x3FFB];
	_ =	sdelay $0x3  }
0x92: {  	_ =	strace s18  }
0x93: {  	s3 =	sld [smem:$0x3FFC];
	_ =	sdelay $0x3  }
0x94: {  	_ =	strace s3  }
0x95: {  	s3 =	sld [smem:$0x3FFD];
	_ =	sdelay $0x3  }
0x96: {  	_ =	strace s3  }
0x97: {  	_ =	strace $0x8FFFFFFF  }
0x98: {  	s19 =	sld [smem:$0x3FDB];
	_ =	sdelay $0x1  }
0x99: {  	s4 =	simm.s32 $_scs_section_size  }
0x9a: {  	s5 =	simm.s32 $_size__tile_overlayer_lowered;
	s6 =	simm.s32 $_tile_overlayer_lowered  }
0x9b: {  	s22 =	simm.s32 $0x1BFF;
	s21 =	sshll.u32 s6, $0x1;
	s3 =	sadd.s32 s4, s19  }
0x9c: {  	s7 =	simm.s32 $0x0;
	s20 =	sshll.u32 s5, $0x1;
	s5 =	sadd.s32 s21, s3  }
0x9d: {  	[timem:s7], [sflag:s22] =	dma.local [hbm:s5], s20  }
0x9e: {  	_ =	swait.ge [sflag:s22], s20  }
0x9f: {  	s4 =	ssub.s32 $0x0, s20;
	[sflag:s22] =	ssyncset.done $0x0  }
0xa0: {  	[sflag:s22] =	ssyncadd.s32 s4;
	_ =	sdelay $0x1  }
0xa1: {  	s23 =	simm.s32 $0x1B8B  }
0xa2: {  	_ =	swait.ge [sflag:s23], $0x1  }
0xa3: {  	[sflag:s23] =	ssyncset.done $0x0  }
0xa4: {  	s25 =	simm.s32 $0x1B8E;
	s24 =	sld [smem:$0x3FFE];
	[sflag:s23] =	ssyncadd.s32 $0xFFFFFFFF  }
0xa5: {  	s26 =	simm.s32 $execute0_lowered;
	[smem:$0x3FD2] =	sst s25  }
0xa6: {  	s5 =	sshll.u32 s26, $0x1;
	_ =	strace $0x80000046;
	[dreg:$0x1] =	wrdreg $0xFFFFFFFF  }
0xa7: {  	s28 =	simm.s32 $_size_execute0_lowered;
	s3 =	sadd.s32 s3, s5;
	[dreg:$0x0] =	wrdreg $0x0  }
0xa8: {  	s5 =	sshll.u32 s28, $0x1;
	[dreg:$0x2] =	wrdreg s3  }
0xa9: {  	[dreg:$0x3] =	wrdreg s5  }
0xaa: {  	[dreg:$0x4] =	wrdreg $0xC0  }
0xab: {  	_ =	task [dreg:s7], $0x5FFFF  }
0xac: {  	[dreg:$0x1] =	wrdreg $0xFFFFFFFF  }
0xad: {  	[dreg:$0x0] =	wrdreg $0x60  }
0xae: {  	[dreg:$0x2] =	wrdreg s2  }
0xaf: {  	[dreg:$0x3] =	wrdreg s24  }
0xb0: {  	[dreg:$0x4] =	wrdreg $0x41000  }
0xb1: {  	[dreg:$0x5] =	wrdreg $0x9  }
0xb2: {  	_ =	task.clear_ibuf [dreg:s7], $0x6FFFF;
	_ =	strace $0x90000046  }
0xb3: {  	s29 =	simm.s32 $0x9;
	_ =	strace $0x80000048  }
0xb4: {  	_ =	swait.ge [sflag:s29], $0x1  }
0xb5: {  	[sflag:s29] =	ssyncadd.s32 $0xFFFFFFFF  }
0xb6: {  	_ =	strace $0x90000048  }
0xb7: {  	_ =	sfence  }
0xb8: {  	s30 =	sld [smem:$0x0];
	_ =	sdelay $0x2  }
0xb9: {  	s31 =	sshll.u32 s1, $0xD;
	s1 =	sshrl.u32 s1, $0x2  }
0xba: {  	s3 =	sand.u32 $0x4000, s31;
	s1 =	sadd.s32 s1, s30  }
0xbb: {  	s0 =	sor.u32 s3, s0;
	s1 =	sshll.u32 s1, $0x11  }
0xbc: {  	s0 =	sor.u32 s1, s0  }
0xbd: {  	s0 =	sadd.s32 $0x8F2B, s0  }
0xbe: {  	[sflag:s0] =	ssyncadd.remote.s32 $0x1  }
0xbf: {  	_ =	sfence.sel $0xFFFF  }
0xc0: {  	[dreg:$0x0] =	wrdreg $0xFFFFFFFF;
	(pc) =	sbr.abs _section_cstart, $3  }
0xc1: {  	[dreg:$0x1] =	wrdreg $0xFFFFFFFF  }
0xc2: {  	_ =	task.clear_ibuf [dreg:s7], $0x2FFFF;
	_ =	strace $0x9FFFFFFF  }
0xc3: {  	(tm) =	ssettm $0x7FFFFFFF  }
tec
execute0_lowered:
.L_overlay_start_1:
0x0: {  	(tag) =	ssettag $0x1  }
0x1: {  	s2 =	rddreg [dreg:$0x0]  }
0x2: {  	s6 =	rddreg [dreg:$0x1]  }
0x3: {  	s3 =	rddreg [dreg:$0x2]  }
0x4: {  	s0 =	rddreg [dreg:$0x3];
	s1 =	stileid.u32  }
0x5: {  	s5 =	srdreg.scid;
	s4 =	simm.s32 $0x0;
	s14 =	simm.s32 $0x80  }
0x6: {  	s15 =	simm.s32 $0x100;
	s16 =	simm.s32 $0x1;
	s7 =	smul.u32 $0x9E0, s1  }
0x7: {  	s17 =	simm.s32 $0x0;
	s8 =	smul.u32 $0x2780, s1;
	s5 =	sand.u32 $0x1, s5  }
0x8: {  	[smem:$0x7FF] =	sst s4;
	s11 =	smul.u32 $0x4F000, s1;
	s31 =	sshll.u32 s1, $0x6  }
0x9: {  	s9 =	smul.u32 $0x27800, s5;
	_ =	strace $0x80000047;
	s26 =	ssub.s32 $0x2, s5  }
0xa: {  	s30 =	smul.u32 $0x4F0, s5;
	s10 =	sadd.s32 s7, s6;
	s28 =	sshrl.u32 s26, $0x1  }
0xb: {  	s29 =	sshrl.u32 s11, $0x2;
	s7 =	sor.u32 $0x1C02, s31;
	s25 =	sadd.s32 s8, s9  }
0xc: {  	s8 =	sadd.s32 s8, s6;
	s9 =	ssub.s32 s26, s28;
	s13 =	sadd.s32 s29, s3  }
0xd: {  	s11 =	sadd.s32 s30, s10;
	s12 =	sadd.s32 s25, s6;
	s6 =	sadd.s32 $0x16600, s8  }
0xe: {  	s9 =	smax.u32 s9, $0x1;
	s10 =	sadd.s32 $0x2A00, s11;
	s11 =	sadd.s32 $0xC800, s11  }
0xf: {  	s8 =	sadd.s32 $0x3DE00, s12;
	s12 =	sshrl.u32 s13, $0x3;
	s13 =	simm.s32 $0x2  }
.LBB2_1:
0x10: {  	[spmem:s12], [sflag:s7] =	dma.local [hbm:s6], $0x2780  }
0x11: {  	_ =	swait.ge [sflag:s13], $0x2780  }
0x12: {  	[sflag:s13] =	ssyncset.done $0x0  }
0x13: {  	s18 =	smov.u32 s11;
	[sflag:s13] =	ssyncadd.s32 $0xFFFFD880  }
0x14: {  	s19 =	smov.u32 s10;
	s20 =	simm.s32 $0x1;
	[bflag:$0x0] =	sbarrier.arrive $0xFFFF  }
.LBB2_2:
0x15: {  	[tilespmem:s4], [sflag:$0x2] =	stream.linear.gather [hbm4b:s18+s4], $0x80, $0x38;
	[tilespmem:$0x17D00] =	vst v63  }
0x16: {  	_ =	swait.ge [sflag:s13], $0x80  }
0x17: {  	[sflag:s13] =	ssyncset.done $0x0  }
0x18: {  	[sflag:s13] =	ssyncadd.s32 $0xFFFFFF80  }
0x19: {  	[tilespmem:s14], [sflag:$0x2] =	stream.linear.gather [hbm4b:s19+s4], $0x80, $0x38;
	[tilespmem:$0x17D00] =	vst v63  }
0x1a: {  	_ =	swait.ge [sflag:s13], $0x80  }
0x1b: {  	[sflag:s13] =	ssyncset.done $0x0  }
0x1c: {  	[sflag:s13] =	ssyncadd.s32 $0xFFFFFF80  }
0x1d: {  	[tilespmem:s15], [sflag:$0x1] =	stream.indirect.gather [hbm4b:s2+s14], $0x80, s4, s14, $0xb8;
	[tilespmem:$0x17D00] =	vst v63  }
0x1e: {  	s21 =	sxor.u32 s20, s5;
	_ =	swait.ge [sflag:s16], $0x4000  }
0x1f: {  	p0 =	sne.s32 s21, $0x4F;
	[sflag:s16] =	ssyncset.done $0x0  }
.Ltmp0:
0x20: {  	[sflag:s16] =	ssyncadd.s32 $0xFFFFC000;
	(pc) =	sbr.rel @p0 .LBB2_2-.Ltmp0, $4  }
0x21: {  	[spmem:s3] =	stream.indirect.scatter.add.f32 [tilespmem:s15], [sflag:$0x2], $0x80, s14, s14, $0xb8;
	[tilespmem:$0x17D00] =	vst v63  }
0x22: {  	_ =	swait.ge [sflag:s13], $0x4000  }
0x23: {  	s20 =	sadd.s32 $0x1, s20;
	[sflag:s13] =	ssyncset.done $0x0  }
0x24: {  	s18 =	sadd.s32 $0x10, s18;
	s19 =	sadd.s32 $0x10, s19;
	[sflag:s13] =	ssyncadd.s32 $0xFFFFC000  }
0x25: {  	s17 =	sadd.s32 $0x1, s17  }
0x26: {  	p0 =	sne.s32 s17, s9  }
.Ltmp1:
0x27: {  	[bflag:$0x0] =	sbarrier.arrive $0xFFFF;
	(pc) =	sbr.rel @p0 .LBB2_1-.Ltmp1, $4  }
0x28: {  	[hbm:s8], [sflag:s7] =	dma.local [spmem:s12], $0x2780  }
0x29: {  	_ =	swait.ge [sflag:s13], $0x2780  }
0x2a: {  	[sflag:s13] =	ssyncset.done $0x0  }
0x2b: {  	[sflag:s13] =	ssyncadd.s32 $0xFFFFD880  }
0x2c: {  	_ =	sfence.sel $0x180000  }
0x2d: {  	[bflag:$0x0] =	sbarrier.arrive $0xFFFF  }
0x2e: {  	p0 =	sne.s32 s1, $0x0;
	_ =	strace $0x90000047  }
0x2f: {  	s0 =	sadd.s32 @!p0 $0x100000, s0;
	[bflag:$0x2] =	sbarrier.arrive $0xFFFF  }
0x30: {  	[sflag:s0] =	ssyncadd.tile.s32 @!p0 $0x1;
	_ =	shalt  }
.Lfunc_end2:
_tile_overlayer_lowered:
.L_overlay_start_2:
0x31: {  	(tag) =	ssettag $0x2  }
0x32: {  	s0 =	rddreg [dreg:$0x0];
	s2 =	stileid.u32  }
0x33: {  	s1 =	rddreg [dreg:$0x1];
	p0 =	sne.s32 s2, $0x0  }
0x34: {  	s3 =	rddreg [dreg:$0x2];
	[bflag:$0x3] =	sbarrier.arrive $0xFFFF;
	s2 =	simm.s32 @!p0 $0x1C02  }
0x35: {  	[timem:s3], [sflag:s2] =	dma.local @!p0 [hbm:s0], s1  }
0x36: {  	s0 =	simm.s32 @!p0 $0x2  }
0x37: {  	_ =	swait.ge @!p0 [sflag:s0], s1  }
0x38: {  	s1 =	ssub.s32 @!p0 $0x0, s1;
	[sflag:s0] =	ssyncset.done @!p0 $0x0  }
0x39: {  	[sflag:s0] =	ssyncadd.s32 @!p0 s1  }
0x3a: {  	[bflag:$0x3] =	sbarrier.arrive $0xFFFF  }
0x3b: {  	_ =	shalt  }

// kernel: kernel.9.cloned.1.call-start
scs
__scs_entry_jumppad:
0x0: {  	(pc) =	sbr.rel $0x88, $3  }
0x1: {  	(tag) =	ssettag $0x0;
	lr =	simm.s32 $0x1  }
0x2: {  	[smem:$0x3F94] =	sst lr;
	_ =	strace $0xD0000000  }
0x3: {  	_ = 	snop  }
0x4: {  	_ = 	snop  }
0x5: {  	_ = 	snop  }
0x6: {  	_ = 	snop  }
0x7: {  	_ = 	snop  }
__scs_overlays_trampoline_lowered:
0x8: {  	[smem:$0x3FA3] =	sst s0  }
0x9: {  	[smem:$0x3FA4] =	sst s1  }
0xa: {  	[smem:$0x3FA5] =	sst s2  }
0xb: {  	[smem:$0x3FA6] =	sst s3  }
0xc: {  	[smem:$0x3FA7] =	sst s4  }
0xd: {  	[smem:$0x3FA8] =	sst s5  }
0xe: {  	[smem:$0x3FA9] =	sst s6  }
0xf: {  	[smem:$0x3FAA] =	sst s7  }
0x10: {  	[smem:$0x3FAB] =	sst s8  }
0x11: {  	[smem:$0x3FAC] =	sst s9;
	s0 =	simm.s32 @!p0 $0x0  }
0x12: {  	s1 =	sld [smem:$0x3F92];
	s0 =	simm.s32 @p0 $0x1  }
0x13: {  	[smem:$0x3FAD] =	sst s0;
	s0 =	simm.s32 @!p1 $0x0  }
0x14: {  	s2 =	sld [smem:$0x3F91];
	s0 =	simm.s32 @p1 $0x1  }
0x15: {  	[smem:$0x3FAE] =	sst s0;
	s0 =	simm.s32 @!p2 $0x0  }
0x16: {  	s3 =	sld [smem:$0x3FDB];
	s0 =	simm.s32 @p2 $0x1  }
0x17: {  	s4 =	simm.s32 $0x1BF5;
	[smem:$0x3FB0] =	sst s0  }
0x18: {  	s0 =	sld [smem:$0x3F93];
	_ =	swait.ge [sflag:s4], $0x0  }
0x19: {  	s7 =	sld [smem:$0x3F94]  }
0x1a: {  	s8 =	sadd.s32 $0xFFFFE003, lr  }
0x1b: {  	s9 =	sadd.s32 $0xFFFFFEF7, lr;
	s5 =	simm.s32 $0xFFFFFFFF;
	p2 =	slt.u32 s8, $0xFFFFF086  }
0x1c: {  	p1 =	slt.u32 s9, $0xF7A;
	s5 =	simm.s32 @!p2 $0x0  }
0x1d: {  	s5 =	simm.s32 @p1 $0x1;
	p0 =	seq.s32 s7, s2  }
0x1e: {  	s7 =	smul.u32 @!p0 $0xF7A, s2;
	p2 =	seq.s32 @!p0 s5, $0x0  }
0x1f: {  	s9 =	smul.u32 $0xF7A, s1;
	s8 =	simm.s32 @!p0 $0x1BF5;
	p2 =	por !p2, p0  }
0x20: {  	[sflag:s8] =	ssyncset.s32 @!p0 $0xFFFFF086;
	s6 =	sadd.s32 @!p0 s3, s7;
	s7 =	simm.s32 @!p0 $0x108  }
0x21: {  	s3 =	sadd.s32 s3, s9;
	s6 =	sadd.s32 @!p0 $0x88, s6;
	s7 =	simm.s32 @p2 $0x1082  }
0x22: {  	[simem:s7], [sflag:s8] =	dma.local @!p0 [hbm:s6], $0xF7A  }
0x23: {  	s9 =	sor.u32 $0xD0000000, s2;
	s6 =	simm.s32 $0x108;
	_ =	swait.ge @!p0 [sflag:s8], $0x0  }
0x24: {  	s3 =	sadd.s32 $0x88, s3;
	s6 =	simm.s32 @!p1 $0x1082;
	[sflag:s4] =	ssyncset.s32 $0xFFFFF086  }
0x25: {  	[simem:s6], [sflag:s4] =	dma.local [hbm:s3], $0xF7A  }
0x26: {  	[smem:$0x3F94] =	sst s1;
	(tag) =	ssettag s2;
	_ =	strace s9  }
0x27: {  	s1 =	sld [smem:$0x3FA4]  }
0x28: {  	s2 =	sld [smem:$0x3FA5]  }
0x29: {  	s4 =	sld [smem:$0x3FA7]  }
0x2a: {  	p0 =	seq.s32 s5, $0x0;
	s5 =	sld [smem:$0x3FA8]  }
0x2b: {  	s6 =	sld [smem:$0x3FA9]  }
0x2c: {  	s7 =	sld [smem:$0x3FAA]  }
0x2d: {  	s3 =	simm.s32 $0x108;
	s8 =	sld [smem:$0x3FAB]  }
0x2e: {  	s3 =	simm.s32 @!p0 $0x1082;
	s9 =	sld [smem:$0x3FAC]  }
0x2f: {  	lr =	sadd.s32 s0, s3;
	s0 =	sld [smem:$0x3FA3]  }
0x30: {  	s3 =	sld [smem:$0x3FA6]  }
0x31: {  	[smem:$0x3FAF] =	sst s10  }
0x32: {  	s10 =	sld [smem:$0x3FAD];
	_ =	sdelay $0x3  }
0x33: {  	p0 =	seq.s32 s10, $0x1;
	s10 =	sld [smem:$0x3FAF];
	_ =	sdelay $0x3  }
0x34: {  	[smem:$0x3FAF] =	sst s10  }
0x35: {  	s10 =	sld [smem:$0x3FAE];
	_ =	sdelay $0x3  }
0x36: {  	p1 =	seq.s32 s10, $0x1;
	s10 =	sld [smem:$0x3FAF];
	_ =	sdelay $0x3  }
0x37: {  	[smem:$0x3FAF] =	sst s10  }
0x38: {  	s10 =	sld [smem:$0x3FB0]  }
0x39: {  	_ = 	snop;
	(pc) =	sbr.ind lr, $3  }
0x3a: {  	_ = 	snop  }
0x3b: {  	_ = 	snop  }
0x3c: {  	p2 =	seq.s32 s10, $0x1;
	s10 =	sld [smem:$0x3FAF]  }
0x3d: {  	_ =	shalt  }
0x3e: {  	_ =	shalt  }
0x3f: {  	_ =	shalt  }
0x40: {  	_ =	shalt  }
0x41: {  	_ =	shalt  }
0x42: {  	_ =	shalt  }
0x43: {  	_ =	shalt  }
0x44: {  	_ =	shalt  }
0x45: {  	_ =	shalt  }
0x46: {  	_ =	shalt  }
0x47: {  	_ =	shalt  }
0x48: {  	_ =	shalt  }
0x49: {  	_ =	shalt  }
0x4a: {  	_ =	shalt  }
0x4b: {  	_ =	shalt  }
0x4c: {  	_ =	shalt  }
0x4d: {  	_ =	shalt  }
0x4e: {  	_ =	shalt  }
0x4f: {  	_ =	shalt  }
0x50: {  	_ =	shalt  }
0x51: {  	_ =	shalt  }
0x52: {  	_ =	shalt  }
0x53: {  	_ =	shalt  }
0x54: {  	_ =	shalt  }
0x55: {  	_ =	shalt  }
0x56: {  	_ =	shalt  }
0x57: {  	_ =	shalt  }
0x58: {  	_ =	shalt  }
0x59: {  	_ =	shalt  }
0x5a: {  	_ =	shalt  }
0x5b: {  	_ =	shalt  }
0x5c: {  	_ =	shalt  }
0x5d: {  	_ =	shalt  }
0x5e: {  	_ =	shalt  }
0x5f: {  	_ =	shalt  }
0x60: {  	_ =	shalt  }
0x61: {  	_ =	shalt  }
0x62: {  	_ =	shalt  }
0x63: {  	_ =	shalt  }
0x64: {  	_ =	shalt  }
0x65: {  	_ =	shalt  }
0x66: {  	_ =	shalt  }
0x67: {  	_ =	shalt  }
0x68: {  	_ =	shalt  }
0x69: {  	_ =	shalt  }
0x6a: {  	_ =	shalt  }
0x6b: {  	_ =	shalt  }
0x6c: {  	_ =	shalt  }
0x6d: {  	_ =	shalt  }
0x6e: {  	_ =	shalt  }
0x6f: {  	_ =	shalt  }
0x70: {  	_ =	shalt  }
0x71: {  	_ =	shalt  }
0x72: {  	_ =	shalt  }
0x73: {  	_ =	shalt  }
0x74: {  	_ =	shalt  }
0x75: {  	_ =	shalt  }
0x76: {  	_ =	shalt  }
0x77: {  	_ =	shalt  }
0x78: {  	_ =	shalt  }
0x79: {  	_ =	shalt  }
0x7a: {  	_ =	shalt  }
0x7b: {  	_ =	shalt  }
0x7c: {  	_ =	shalt  }
0x7d: {  	_ =	shalt  }
0x7e: {  	_ =	shalt  }
0x7f: {  	_ =	shalt  }
0x80: {  	_ =	shalt  }
0x81: {  	_ =	shalt  }
0x82: {  	_ =	shalt  }
0x83: {  	_ =	shalt  }
0x84: {  	_ =	shalt  }
0x85: {  	_ =	shalt  }
0x86: {  	_ =	shalt  }
0x87: {  	_ =	shalt  }
.Lfunc_end0:
.L_simem_size_0:
called_computation.1_lowered:
.L_overlay_start_0:
0x88: {  	s2 =	sld [smem:$0x3FD9]  }
0x89: {  	s3 =	sld [smem:$0x3FFE];
	_ =	sdelay $0x1  }
0x8a: {  	s1 =	srdreg.scid  }
0x8b: {  	s0 =	sand.u32 $0x1, s1  }
0x8c: {  	s16 =	sshll.u32 s0, $0xA;
	s2 =	sadd.s32 s3, s2  }
0x8d: {  	s2 =	sadd.s32 s2, s16  }
0x8e: {  	[smem:$0x3FBB] =	sst s2  }
0x8f: {  	_ = 	snop  }
0x90: {  	(tm) =	ssettm $0x1  }
0x91: {  	s17 =	sld [smem:$0x3FFB];
	_ =	sdelay $0x3  }
0x92: {  	_ =	strace s17  }
0x93: {  	s2 =	sld [smem:$0x3FFC];
	_ =	sdelay $0x3  }
0x94: {  	_ =	strace s2  }
0x95: {  	s2 =	sld [smem:$0x3FFD];
	_ =	sdelay $0x3  }
0x96: {  	_ =	strace s2  }
0x97: {  	_ =	strace $0x8FFFFFFF  }
0x98: {  	s18 =	sld [smem:$0x3FDB];
	_ =	sdelay $0x1  }
0x99: {  	s19 =	simm.s32 $_scs_section_size  }
0x9a: {  	s4 =	simm.s32 $_size__tile_overlayer_lowered;
	s5 =	simm.s32 $_tile_overlayer_lowered  }
0x9b: {  	s22 =	simm.s32 $0x1BFF;
	s21 =	sshll.u32 s5, $0x1;
	s2 =	sadd.s32 s19, s18  }
0x9c: {  	s6 =	simm.s32 $0x0;
	s20 =	sshll.u32 s4, $0x1;
	s4 =	sadd.s32 s21, s2  }
0x9d: {  	[timem:s6], [sflag:s22] =	dma.local [hbm:s4], s20  }
0x9e: {  	_ =	swait.ge [sflag:s22], s20  }
0x9f: {  	s3 =	ssub.s32 $0x0, s20;
	[sflag:s22] =	ssyncset.done $0x0  }
0xa0: {  	[sflag:s22] =	ssyncadd.s32 s3;
	_ =	sdelay $0x1  }
0xa1: {  	s23 =	simm.s32 $0x1B8B  }
0xa2: {  	_ =	swait.ge [sflag:s23], $0x1  }
0xa3: {  	[sflag:s23] =	ssyncset.done $0x0  }
0xa4: {  	s25 =	simm.s32 $0x1B8E;
	s24 =	sld [smem:$0x3FFE];
	[sflag:s23] =	ssyncadd.s32 $0xFFFFFFFF  }
0xa5: {  	s26 =	simm.s32 $execute0_lowered;
	[smem:$0x3FD2] =	sst s25  }
0xa6: {  	s4 =	sshll.u32 s26, $0x1;
	_ =	strace $0x80000049;
	[dreg:$0x1] =	wrdreg $0xFFFFFFFF  }
0xa7: {  	s28 =	simm.s32 $_size_execute0_lowered;
	s2 =	sadd.s32 s2, s4;
	[dreg:$0x0] =	wrdreg $0x0  }
0xa8: {  	s4 =	sshll.u32 s28, $0x1;
	[dreg:$0x2] =	wrdreg s2  }
0xa9: {  	[dreg:$0x3] =	wrdreg s4  }
0xaa: {  	[dreg:$0x4] =	wrdreg $0xC0  }
0xab: {  	_ =	task [dreg:s6], $0x5FFFF  }
0xac: {  	[dreg:$0x1] =	wrdreg $0xFFFFFFFF  }
0xad: {  	[dreg:$0x0] =	wrdreg $0x60  }
0xae: {  	[dreg:$0x2] =	wrdreg s24  }
0xaf: {  	[dreg:$0x3] =	wrdreg $0x41000  }
0xb0: {  	[dreg:$0x4] =	wrdreg $0x9  }
0xb1: {  	_ =	task.clear_ibuf [dreg:s6], $0x5FFFF;
	_ =	strace $0x90000049  }
0xb2: {  	s29 =	simm.s32 $0x9;
	_ =	strace $0x8000004B  }
0xb3: {  	_ =	swait.ge [sflag:s29], $0x1  }
0xb4: {  	[sflag:s29] =	ssyncadd.s32 $0xFFFFFFFF  }
0xb5: {  	_ =	strace $0x9000004B  }
0xb6: {  	_ =	sfence  }
0xb7: {  	s30 =	sld [smem:$0x0];
	_ =	sdelay $0x2  }
0xb8: {  	s31 =	sshll.u32 s1, $0xD;
	s1 =	sshrl.u32 s1, $0x2  }
0xb9: {  	s3 =	sand.u32 $0x4000, s31;
	s1 =	sadd.s32 s1, s30  }
0xba: {  	s0 =	sor.u32 s3, s0;
	s1 =	sshll.u32 s1, $0x11  }
0xbb: {  	s0 =	sor.u32 s1, s0  }
0xbc: {  	s0 =	sadd.s32 $0x8F2B, s0  }
0xbd: {  	[sflag:s0] =	ssyncadd.remote.s32 $0x1  }
0xbe: {  	_ =	sfence.sel $0xFFFF  }
0xbf: {  	[dreg:$0x0] =	wrdreg $0xFFFFFFFF;
	(pc) =	sbr.abs _section_cstart, $3  }
0xc0: {  	[dreg:$0x1] =	wrdreg $0xFFFFFFFF  }
0xc1: {  	_ =	task.clear_ibuf [dreg:s6], $0x2FFFF;
	_ =	strace $0x9FFFFFFF  }
0xc2: {  	(tm) =	ssettm $0x7FFFFFFF  }
0xc3: {  	_ =	shalt  }
tec
execute0_lowered:
.L_overlay_start_1:
0x0: {  	(tag) =	ssettag $0x1  }
0x1: {  	s6 =	rddreg [dreg:$0x0]  }
0x2: {  	s2 =	rddreg [dreg:$0x1]  }
0x3: {  	s0 =	rddreg [dreg:$0x2]  }
0x4: {  	s1 =	stileid.u32;
	s4 =	srdreg.scid  }
0x5: {  	s3 =	simm.s32 $0x0;
	s14 =	simm.s32 $0x80;
	s15 =	simm.s32 $0x100  }
0x6: {  	s16 =	simm.s32 $0x1;
	s17 =	simm.s32 $0x0;
	s7 =	smul.u32 $0x9E0, s1  }
0x7: {  	s8 =	smul.u32 $0x2780, s1;
	s4 =	sand.u32 $0x1, s4;
	[smem:$0x7FF] =	sst s3  }
0x8: {  	s5 =	sadd.s32 $0x3DE00, s6;
	s11 =	smul.u32 $0x4F000, s1;
	s31 =	sshll.u32 s1, $0x6  }
0x9: {  	s9 =	smul.u32 $0x27800, s4;
	_ =	strace $0x8000004A;
	s26 =	ssub.s32 $0x2, s4  }
0xa: {  	s30 =	smul.u32 $0x4F0, s4;
	s10 =	sadd.s32 s7, s6;
	s28 =	sshrl.u32 s26, $0x1  }
0xb: {  	s29 =	sshrl.u32 s11, $0x2;
	s7 =	sor.u32 $0x1C02, s31;
	s25 =	sadd.s32 s8, s9  }
0xc: {  	s8 =	sadd.s32 s8, s6;
	s9 =	ssub.s32 s26, s28;
	s13 =	sadd.s32 s29, s2  }
0xd: {  	s11 =	sadd.s32 s30, s10;
	s12 =	sadd.s32 s25, s6;
	s6 =	sadd.s32 $0x16600, s8  }
0xe: {  	s9 =	smax.u32 s9, $0x1;
	s10 =	sadd.s32 $0x2A00, s11;
	s11 =	sadd.s32 $0xC800, s11  }
0xf: {  	s8 =	sadd.s32 $0x65000, s12;
	s12 =	sshrl.u32 s13, $0x3;
	s13 =	simm.s32 $0x2  }
.LBB2_1:
0x10: {  	[spmem:s12], [sflag:s7] =	dma.local [hbm:s6], $0x2780  }
0x11: {  	_ =	swait.ge [sflag:s13], $0x2780  }
0x12: {  	[sflag:s13] =	ssyncset.done $0x0  }
0x13: {  	s18 =	smov.u32 s11;
	[sflag:s13] =	ssyncadd.s32 $0xFFFFD880  }
0x14: {  	s19 =	smov.u32 s10;
	s20 =	simm.s32 $0x1;
	[bflag:$0x0] =	sbarrier.arrive $0xFFFF  }
.LBB2_2:
0x15: {  	[tilespmem:s3], [sflag:$0x2] =	stream.linear.gather [hbm4b:s18+s3], $0x80, $0x38;
	[tilespmem:$0x17D00] =	vst v63  }
0x16: {  	_ =	swait.ge [sflag:s13], $0x80  }
0x17: {  	[sflag:s13] =	ssyncset.done $0x0  }
0x18: {  	[sflag:s13] =	ssyncadd.s32 $0xFFFFFF80  }
0x19: {  	[tilespmem:s14], [sflag:$0x2] =	stream.linear.gather [hbm4b:s19+s3], $0x80, $0x38;
	[tilespmem:$0x17D00] =	vst v63  }
0x1a: {  	_ =	swait.ge [sflag:s13], $0x80  }
0x1b: {  	[sflag:s13] =	ssyncset.done $0x0  }
0x1c: {  	[sflag:s13] =	ssyncadd.s32 $0xFFFFFF80  }
0x1d: {  	[tilespmem:s15], [sflag:$0x1] =	stream.indirect.gather [hbm4b:s5+s14], $0x80, s3, s14, $0xb8;
	[tilespmem:$0x17D00] =	vst v63  }
0x1e: {  	s21 =	sxor.u32 s20, s4;
	_ =	swait.ge [sflag:s16], $0x4000  }
0x1f: {  	p0 =	sne.s32 s21, $0x4F;
	[sflag:s16] =	ssyncset.done $0x0  }
.Ltmp0:
0x20: {  	[sflag:s16] =	ssyncadd.s32 $0xFFFFC000;
	(pc) =	sbr.rel @p0 .LBB2_2-.Ltmp0, $4  }
0x21: {  	[spmem:s2] =	stream.indirect.scatter.add.f32 [tilespmem:s15], [sflag:$0x2], $0x80, s14, s14, $0xb8;
	[tilespmem:$0x17D00] =	vst v63  }
0x22: {  	_ =	swait.ge [sflag:s13], $0x4000  }
0x23: {  	s20 =	sadd.s32 $0x1, s20;
	[sflag:s13] =	ssyncset.done $0x0  }
0x24: {  	s18 =	sadd.s32 $0x10, s18;
	s19 =	sadd.s32 $0x10, s19;
	[sflag:s13] =	ssyncadd.s32 $0xFFFFC000  }
0x25: {  	s17 =	sadd.s32 $0x1, s17  }
0x26: {  	p0 =	sne.s32 s17, s9  }
.Ltmp1:
0x27: {  	[bflag:$0x0] =	sbarrier.arrive $0xFFFF;
	(pc) =	sbr.rel @p0 .LBB2_1-.Ltmp1, $4  }
0x28: {  	[hbm:s8], [sflag:s7] =	dma.local [spmem:s12], $0x2780  }
0x29: {  	_ =	swait.ge [sflag:s13], $0x2780  }
0x2a: {  	[sflag:s13] =	ssyncset.done $0x0  }
0x2b: {  	[sflag:s13] =	ssyncadd.s32 $0xFFFFD880  }
0x2c: {  	_ =	sfence.sel $0x180000  }
0x2d: {  	[bflag:$0x0] =	sbarrier.arrive $0xFFFF  }
0x2e: {  	p0 =	sne.s32 s1, $0x0;
	_ =	strace $0x9000004A  }
0x2f: {  	s0 =	sadd.s32 @!p0 $0x100000, s0;
	[bflag:$0x2] =	sbarrier.arrive $0xFFFF  }
0x30: {  	[sflag:s0] =	ssyncadd.tile.s32 @!p0 $0x1;
	_ =	shalt  }
.Lfunc_end2:
_tile_overlayer_lowered:
.L_overlay_start_2:
0x31: {  	(tag) =	ssettag $0x2  }
0x32: {  	s0 =	rddreg [dreg:$0x0];
	s2 =	stileid.u32  }
0x33: {  	s1 =	rddreg [dreg:$0x1];
	p0 =	sne.s32 s2, $0x0  }
0x34: {  	s3 =	rddreg [dreg:$0x2];
	[bflag:$0x3] =	sbarrier.arrive $0xFFFF;
	s2 =	simm.s32 @!p0 $0x1C02  }
0x35: {  	[timem:s3], [sflag:s2] =	dma.local @!p0 [hbm:s0], s1  }
0x36: {  	s0 =	simm.s32 @!p0 $0x2  }
0x37: {  	_ =	swait.ge @!p0 [sflag:s0], s1  }
0x38: {  	s1 =	ssub.s32 @!p0 $0x0, s1;
	[sflag:s0] =	ssyncset.done @!p0 $0x0  }
0x39: {  	[sflag:s0] =	ssyncadd.s32 @!p0 s1  }
0x3a: {  	[bflag:$0x3] =	sbarrier.arrive $0xFFFF  }
0x3b: {  	_ =	shalt  }

</sc_bundles>
